<compile_context>
chip_gen: v7x
topology: tpu7x:2x2x1
jax: 0.10.2.dev20260603
libtpu: 0.0.44.dev20260713+nightly
codegen_flags: <defaults>
</compile_context>

<pallas_src>
import functools

import jax
import jax.numpy as jnp
from jax import lax
from jax.experimental import pallas as pl
from jax.experimental.pallas import tpu as pltpu
from jax.experimental.pallas import tpu_sc as plsc

B = 64
P = 256
N = B * P
NVP = 8
NV = B * NVP
HID = 16
PFC_DIM = 13
K1 = 64
K2 = 16

_F32 = jnp.float32


def _mm(a, b):
    return jnp.dot(a, b, precision=jax.lax.Precision.HIGHEST,
                   preferred_element_type=_F32)


def _silu(x):
    return x * (1.0 / (1.0 + jnp.exp(-x)))


def _topk_maskT(keys, k):
    hi0 = jnp.max(keys, axis=0, keepdims=True)
    lo0 = jnp.zeros_like(hi0)

    def body(_, lohi):
        lo, hi = lohi
        mid = lo + ((hi - lo) >> 1)
        cnt = jnp.sum((keys <= mid).astype(jnp.int32), axis=0, keepdims=True)
        pred = cnt >= k
        return (jnp.where(pred, lo, mid + 1), jnp.where(pred, mid, hi))

    _, t = jax.lax.fori_loop(0, _BISECT_ITERS, body, (lo0, hi0))
    strict = keys < t
    ties = keys == t
    need = k - jnp.sum(strict.astype(jnp.int32), axis=0, keepdims=True)
    r = jax.lax.broadcasted_iota(jnp.int32, (P, P), 0)
    c = jax.lax.broadcasted_iota(jnp.int32, (P, P), 1)
    lower = (c < r).astype(jnp.bfloat16)
    excl = jnp.dot(lower, ties.astype(jnp.bfloat16),
                   preferred_element_type=_F32)
    sel = strict | (ties & (excl < need.astype(_F32)))
    return sel.astype(_F32)


def _pairdistT(xd, xs):
    sq_d = jnp.sum(xd * xd, axis=1, keepdims=True)
    sq_s = jnp.sum(xs * xs, axis=1, keepdims=True)
    return (sq_s + sq_d.T) - 2.0 * _mm(xs, xd.T)


def _keysT(xd, xs):
    d2c = jnp.maximum(_pairdistT(xd, xs), 0.0)
    k = jax.lax.bitcast_convert_type(d2c, jnp.int32)
    return k >> 10


_BISECT_ITERS = 21


def _conv_blockT(xd, xs, selT, W1, b1, k, halfp=False):
    d = xd.shape[1]
    W1a, W1b = W1[:d, :], W1[d:, :]
    a = _mm(xd, W1a - W1b) + b1
    c = _mm(xs, W1b)
    dt = jnp.bfloat16 if halfp else _F32
    a = a.astype(dt)
    c = c.astype(dt)
    g = xd.shape[0] // P
    parts = []
    for i in range(g):
        aT = a[i * P:(i + 1) * P].T
        cg = c[i * P:(i + 1) * P]
        s = _silu(cg[:, :, None] + aT[None, :, :])
        ht = jnp.sum(s.astype(_F32) * selT[:, None, i * P:(i + 1) * P],
                     axis=0)
        parts.append(ht.T)
    return jnp.concatenate(parts, axis=0) * (1.0 / k)


G = 8


def _conv1_body(xp_ref, peW1_ref, peb1_ref, peW2_ref, peb2_ref,
                W1_ref, b1_ref, W2_ref, b2_ref, f1_ref):
    xp = xp_ref[...]
    enc = _mm(_silu(_mm(xp, peW1_ref[...]) + peb1_ref[...]),
              peW2_ref[...]) + peb2_ref[...]
    keys = jnp.concatenate(
        [_keysT(enc[i * P:(i + 1) * P], enc[i * P:(i + 1) * P])
         for i in range(G)], axis=1)
    selT = _topk_maskT(keys, K1)
    h = _conv_blockT(enc, enc, selT, W1_ref[...], b1_ref[...], K1,
                     halfp=True)
    f1_ref[...] = _mm(h, W2_ref[...]) + b2_ref[...]


def _conv2_body(dxp_ref, df1_ref, sxp_ref, sf1_ref,
                W1_ref, b1_ref, W2_ref, b2_ref,
                oW1_ref, ob1_ref, oW2_ref, ob2_ref, oW3_ref, ob3_ref,
                out_ref):
    xd = jnp.concatenate([dxp_ref[...], df1_ref[...]], axis=1)
    xs = jnp.concatenate([sxp_ref[...], sf1_ref[...]], axis=1)
    keys = jnp.concatenate(
        [_keysT(xd[i * P:(i + 1) * P], xs[i * P:(i + 1) * P])
         for i in range(G)], axis=1)
    selT = _topk_maskT(keys, K2)
    h = _conv_blockT(xd, xs, selT, W1_ref[...], b1_ref[...], K2, halfp=True)
    f2 = _mm(h, W2_ref[...]) + b2_ref[...]
    h1 = _silu(_mm(f2, oW1_ref[...]) + ob1_ref[...])
    h2 = _silu(_mm(h1, oW2_ref[...]) + ob2_ref[...])
    out_ref[...] = _mm(h2, oW3_ref[...]) + ob3_ref[...]


_SC_NW = 32
_SC_ROWS = N // _SC_NW
_SC_CHUNK = 128


@functools.partial(
    pl.kernel,
    mesh=plsc.VectorSubcoreMesh(core_axis_name="c", subcore_axis_name="s"),
    compiler_params=pltpu.CompilerParams(use_tc_tiling_on_sc=False),
    out_type=jax.ShapeDtypeStruct((N, HID), jnp.float32),
    scratch_types=[
        pltpu.VMEM((_SC_ROWS,), jnp.int32),
        pltpu.VMEM((_SC_ROWS, HID), jnp.float32),
        pltpu.SemaphoreType.DMA,
    ],
)
def _sc_gather_rows(tab_hbm, idx_hbm, out_hbm, idx_v, rows_v, sem):
    wid = lax.axis_index("s") * 2 + lax.axis_index("c")
    base = wid * _SC_ROWS
    pltpu.sync_copy(idx_hbm.at[pl.ds(base, _SC_ROWS)], idx_v)
    copies = [
        pltpu.async_copy(
            tab_hbm.at[idx_v.at[pl.ds(c * _SC_CHUNK, _SC_CHUNK)]],
            rows_v.at[pl.ds(c * _SC_CHUNK, _SC_CHUNK)], sem)
        for c in range(_SC_ROWS // _SC_CHUNK)
    ]
    for cp in copies:
        cp.wait()
    pltpu.sync_copy(rows_v, out_hbm.at[pl.ds(base, _SC_ROWS)])


def _vtx_body(xv_ref, W1_ref, b1_ref, W2_ref, b2_ref, out_ref):
    xv = xv_ref[...]
    out_ref[...] = _mm(_silu(_mm(xv, W1_ref[...]) + b1_ref[...]),
                       W2_ref[...]) + b2_ref[...]


def _full(shape):
    return pl.BlockSpec(shape, lambda b: (0, 0))


def kernel(x_pfc, x_vtx, batch_pfc, batch_vtx,
           pe_W1, pe_b1, pe_W2, pe_b2,
           ve_W1, ve_b1, ve_W2, ve_b2,
           c1_W1, c1_b1, c1_W2, c1_b2,
           c2_W1, c2_b1, c2_W2, c2_b2,
           o_W1, o_b1, o_W2, o_b2, o_W3, o_b3):
    row = lambda v: v.reshape(1, -1)

    feats1 = pl.pallas_call(
        _conv1_body,
        grid=(B // G,),
        in_specs=[
            pl.BlockSpec((G * P, PFC_DIM), lambda b: (b, 0)),
            _full(pe_W1.shape), _full((1, HID)),
            _full(pe_W2.shape), _full((1, HID)),
            _full(c1_W1.shape), _full((1, HID)),
            _full(c1_W2.shape), _full((1, HID)),
        ],
        out_specs=pl.BlockSpec((G * P, HID), lambda b: (b, 0)),
        out_shape=jax.ShapeDtypeStruct((N, HID), _F32),
    )(x_pfc, pe_W1, row(pe_b1), pe_W2, row(pe_b2),
      c1_W1, row(c1_b1), c1_W2, row(c1_b2))

    charged_idx = jnp.nonzero(x_pfc[:, 11] != 0, size=N, fill_value=0)[0]
    sxp = x_pfc[charged_idx]
    sf1 = _sc_gather_rows(feats1, charged_idx.astype(jnp.int32))

    out = pl.pallas_call(
        _conv2_body,
        grid=(B // G,),
        in_specs=[
            pl.BlockSpec((G * P, PFC_DIM), lambda b: (b, 0)),
            pl.BlockSpec((G * P, HID), lambda b: (b, 0)),
            pl.BlockSpec((G * P, PFC_DIM), lambda b: (b, 0)),
            pl.BlockSpec((G * P, HID), lambda b: (b, 0)),
            _full(c2_W1.shape), _full((1, HID)),
            _full(c2_W2.shape), _full((1, HID)),
            _full(o_W1.shape), _full((1, 32)),
            _full(o_W2.shape), _full((1, 4)),
            _full(o_W3.shape), _full((1, 1)),
        ],
        out_specs=pl.BlockSpec((G * P, 1), lambda b: (b, 0)),
        out_shape=jax.ShapeDtypeStruct((N, 1), _F32),
    )(x_pfc, feats1, sxp, sf1, c2_W1, row(c2_b1), c2_W2, row(c2_b2),
      o_W1, row(o_b1), o_W2, row(o_b2), o_W3, row(o_b3))

    x_vtx_enc = pl.pallas_call(
        _vtx_body,
        out_shape=jax.ShapeDtypeStruct((NV, HID), _F32),
    )(x_vtx, ve_W1, row(ve_b1), ve_W2, row(ve_b2))

    return (out, batch_pfc, feats1, x_vtx_enc)

# --- scband reference (transcript-rebuilt; emitter-appended) ---
"""Pipeline reference for scband-net-73203422593184 (READ-ONLY COPY).

The authoritative reference and input builder live on the scoring server;
editing this copy changes nothing except your own understanding.
"""

import jax, jax.numpy as jnp
import numpy as np

B = 64
P = 256
N = B * P
NVP = 8
NV = B * NVP
HID = 16
PFC_DIM = 13
K1 = 64
K2 = 16


def _lin_init(key, fin, fout):
    k1, k2 = jax.random.split(key)
    lim = 1.0 / np.sqrt(fin)
    W = jax.random.uniform(k1, (fin, fout), minval=-lim, maxval=lim, dtype=jnp.float32)
    b = jax.random.uniform(k2, (fout,), minval=-lim, maxval=lim, dtype=jnp.float32)
    return W, b


def setup_inputs(seed: int = 0):
    key = jax.random.key(seed)
    ks = jax.random.split(key, 20)
    inp = {}
    inp['x_pfc'] = jax.random.normal(ks[0], (N, PFC_DIM), dtype=jnp.float32)
    inp['x_vtx'] = jax.random.normal(ks[1], (NV, 4), dtype=jnp.float32)
    inp['batch_pfc'] = jnp.repeat(jnp.arange(B, dtype=jnp.int32), P)
    inp['batch_vtx'] = jnp.repeat(jnp.arange(B, dtype=jnp.int32), NVP)
    inp['pe_W1'], inp['pe_b1'] = _lin_init(ks[2], PFC_DIM, HID)
    inp['pe_W2'], inp['pe_b2'] = _lin_init(ks[3], HID, HID)
    inp['ve_W1'], inp['ve_b1'] = _lin_init(ks[4], 4, HID // 2)
    inp['ve_W2'], inp['ve_b2'] = _lin_init(ks[5], HID // 2, HID)
    inp['c1_W1'], inp['c1_b1'] = _lin_init(ks[6], 2 * HID, HID)
    inp['c1_W2'], inp['c1_b2'] = _lin_init(ks[7], HID, HID)
    inp['c2_W1'], inp['c2_b1'] = _lin_init(ks[8], 2 * (HID + PFC_DIM), HID)
    inp['c2_W2'], inp['c2_b2'] = _lin_init(ks[9], HID, HID)
    inp['o_W1'], inp['o_b1'] = _lin_init(ks[10], HID, 32)
    inp['o_W2'], inp['o_b2'] = _lin_init(ks[11], 32, 4)
    inp['o_W3'], inp['o_b3'] = _lin_init(ks[12], 4, 1)
    return inp


def _mlp2(x, W1, b1, W2, b2):
    return jax.nn.silu(x @ W1 + b1) @ W2 + b2


def _dynamic_edge_conv(x_src, x_dst, k, W1, b1, W2, b2):
    # torch_geometric DynamicEdgeConv with bipartite (x_src, x_dst):
    # for each dst node, find k nearest src nodes within the same batch graph
    # (equal-size graphs -> reshape to [B, P, d]), message = nn([x_i, x_j - x_i]),
    # aggr = mean over the k neighbors.
    d = x_src.shape[-1]
    xs = x_src.reshape(B, -1, d)
    xd = x_dst.reshape(B, -1, d)
    d2 = (jnp.sum(xd * xd, axis=-1)[:, :, None]
          - 2.0 * jnp.einsum('bid,bjd->bij', xd, xs)
          + jnp.sum(xs * xs, axis=-1)[:, None, :])
    _, idx = jax.lax.top_k(-d2, k)  # [B, Pd, k] indices into src set (self included, matching torch_cluster.knn)
    xj = jax.vmap(lambda s, i: s[i])(xs, idx)  # [B, Pd, k, d]
    xi = jnp.broadcast_to(xd[:, :, None, :], xj.shape)
    msg = _mlp2(jnp.concatenate([xi, xj - xi], axis=-1), W1, b1, W2, b2)
    out = jnp.mean(msg, axis=2)
    return out.reshape(-1, out.shape[-1])


def reference(x_pfc, x_vtx, batch_pfc, batch_vtx,
              pe_W1, pe_b1, pe_W2, pe_b2,
              ve_W1, ve_b1, ve_W2, ve_b2,
              c1_W1, c1_b1, c1_W2, c1_b2,
              c2_W1, c2_b1, c2_W2, c2_b2,
              o_W1, o_b1, o_W2, o_b2, o_W3, o_b3):
    x_pfc_enc = _mlp2(x_pfc, pe_W1, pe_b1, pe_W2, pe_b2)
    x_vtx_enc = _mlp2(x_vtx, ve_W1, ve_b1, ve_W2, ve_b2)
    # dropout is identity in eval mode
    feats1 = _dynamic_edge_conv(x_pfc_enc, x_pfc_enc, K1, c1_W1, c1_b1, c1_W2, c1_b2)
    concat_feats = jnp.concatenate([x_pfc, feats1], axis=1)
    # charged selection: x_pfc[:,11] != 0; with randn inputs every node is charged,
    # so the static-size nonzero recovers exactly arange(N)
    charged_idx = jnp.nonzero(x_pfc[:, 11] != 0, size=N, fill_value=0)[0]
    charged_feats1 = concat_feats[charged_idx]
    feats2 = _dynamic_edge_conv(charged_feats1, concat_feats, K2, c2_W1, c2_b1, c2_W2, c2_b2)
    h = jax.nn.silu(feats2 @ o_W1 + o_b1)
    h = jax.nn.silu(h @ o_W2 + o_b2)
    out = h @ o_W3 + o_b3
    return (out, batch_pfc, feats1, x_vtx_enc)

if __name__ == "__main__":
    import jax
    _d = setup_inputs()
    print(jax.jit(kernel)(*tuple(_d.values())))

</pallas_src>

<mosaic_0001>
#map = affine_map<(d0, d1) -> (0, 0)>
#map1 = affine_map<(d0, d1) -> (0)>
module attributes {stable_mosaic.version = 14 : i64} {
  func.func @_sc_gather_rows(%arg0: i32, %arg1: i32, %arg2: memref<16384x16xf32, #tpu.memory_space<hbm>>, %arg3: memref<16384xi32, #tpu.memory_space<hbm>>, %arg4: memref<16384x16xf32, #tpu.memory_space<hbm>>, %arg5: memref<512xi32, #tpu.memory_space<vmem>>, %arg6: memref<512x16xf32, #tpu.memory_space<vmem>>, %arg7: memref<!tpu.dma_semaphore, #tpu.memory_space<semaphore_mem>>) attributes {dimension_semantics = [#tpu.dimension_semantics<core_parallel>, #tpu.dimension_semantics<subcore_parallel>], iteration_bounds = array<i64: 2, 16>, scalar_prefetch = 0 : i64, scratch_operands = 3 : i64, tpu.core_type = #tpu.core_type<sc_vector_subcore>, window_params = [{transform_indices = #map}, {transform_indices = #map1}, {transform_indices = #map}]} {
    %mul3A = arith.constant 2 : i32
    %mul3A_0 = arith.muli %arg1, %mul3A : i32
    %add3A = arith.addi %mul3A_0, %arg0 : i32
    %mul3A_1 = arith.constant 512 : i32
    %mul3A_2 = arith.muli %add3A, %mul3A_1 : i32
    "tpu.region"() ({
      %run_scoped3A = tpu.sem_alloc : memref<!tpu.dma_semaphore, #tpu.memory_space<semaphore_mem>>
      %dma_start3A_65 = tpu.memref_slice %arg3[%mul3A_2] : memref<16384xi32, #tpu.memory_space<hbm>> -> memref<512xi32, #tpu.memory_space<hbm>>
      %dma_start3A_66 = tpu.memref_slice %arg3[%mul3A_2] : memref<16384xi32, #tpu.memory_space<hbm>> -> memref<512xi32, #tpu.memory_space<hbm>>
      tpu.enqueue_dma source(%dma_start3A_66 : memref<512xi32, #tpu.memory_space<hbm>>) target(%arg5 : memref<512xi32, #tpu.memory_space<vmem>>) target_semaphore(%run_scoped3A : memref<!tpu.dma_semaphore, #tpu.memory_space<semaphore_mem>>)
      %dma_wait3A_67 = tpu.memref_slice %arg3[%mul3A_2] : memref<16384xi32, #tpu.memory_space<hbm>> -> memref<512xi32, #tpu.memory_space<hbm>>
      %dma_wait3A_68 = tpu.memref_slice %arg3[%mul3A_2] : memref<16384xi32, #tpu.memory_space<hbm>> -> memref<512xi32, #tpu.memory_space<hbm>>
      tpu.wait_dma2 semaphore(%run_scoped3A : memref<!tpu.dma_semaphore, #tpu.memory_space<semaphore_mem>>) src(%dma_wait3A_68 : memref<512xi32, #tpu.memory_space<hbm>>) dst(%arg5 : memref<512xi32, #tpu.memory_space<vmem>>)
      tpu.yield
    }) : () -> ()
    %dma_start3A = arith.constant 0 : i32
    %dma_start3A_3 = arith.constant 0 : i32
    %dma_start3A_4 = tpu.memref_slice %arg6[%dma_start3A, %dma_start3A_3] : memref<512x16xf32, #tpu.memory_space<vmem>> -> memref<128x16xf32, #tpu.memory_space<vmem>>
    %dma_start3A_5 = arith.constant 0 : i32
    %dma_start3A_6 = tpu.memref_slice %arg5[%dma_start3A_5] : memref<512xi32, #tpu.memory_space<vmem>> -> memref<128xi32, #tpu.memory_space<vmem>>
    %dma_start3A_7 = arith.constant 0 : i32
    %dma_start3A_8 = arith.constant 0 : i32
    %dma_start3A_9 = tpu.memref_slice %arg2[%dma_start3A_7, %dma_start3A_8] : memref<16384x16xf32, #tpu.memory_space<hbm>> -> memref<16384x16xf32, #tpu.memory_space<hbm>>
    tpu.enqueue_indirect_dma source(%dma_start3A_9 : memref<16384x16xf32, #tpu.memory_space<hbm>>) target(%dma_start3A_4 : memref<128x16xf32, #tpu.memory_space<vmem>>) offsets(%dma_start3A_6 : memref<128xi32, #tpu.memory_space<vmem>>) semaphore(%arg7 : memref<!tpu.dma_semaphore, #tpu.memory_space<semaphore_mem>>)
    %dma_start3A_10 = arith.constant 128 : i32
    %dma_start3A_11 = arith.constant 0 : i32
    %dma_start3A_12 = tpu.memref_slice %arg6[%dma_start3A_10, %dma_start3A_11] : memref<512x16xf32, #tpu.memory_space<vmem>> -> memref<128x16xf32, #tpu.memory_space<vmem>>
    %dma_start3A_13 = arith.constant 128 : i32
    %dma_start3A_14 = tpu.memref_slice %arg5[%dma_start3A_13] : memref<512xi32, #tpu.memory_space<vmem>> -> memref<128xi32, #tpu.memory_space<vmem>>
    %dma_start3A_15 = arith.constant 0 : i32
    %dma_start3A_16 = arith.constant 0 : i32
    %dma_start3A_17 = tpu.memref_slice %arg2[%dma_start3A_15, %dma_start3A_16] : memref<16384x16xf32, #tpu.memory_space<hbm>> -> memref<16384x16xf32, #tpu.memory_space<hbm>>
    tpu.enqueue_indirect_dma source(%dma_start3A_17 : memref<16384x16xf32, #tpu.memory_space<hbm>>) target(%dma_start3A_12 : memref<128x16xf32, #tpu.memory_space<vmem>>) offsets(%dma_start3A_14 : memref<128xi32, #tpu.memory_space<vmem>>) semaphore(%arg7 : memref<!tpu.dma_semaphore, #tpu.memory_space<semaphore_mem>>)
    %dma_start3A_18 = arith.constant 256 : i32
    %dma_start3A_19 = arith.constant 0 : i32
    %dma_start3A_20 = tpu.memref_slice %arg6[%dma_start3A_18, %dma_start3A_19] : memref<512x16xf32, #tpu.memory_space<vmem>> -> memref<128x16xf32, #tpu.memory_space<vmem>>
    %dma_start3A_21 = arith.constant 256 : i32
    %dma_start3A_22 = tpu.memref_slice %arg5[%dma_start3A_21] : memref<512xi32, #tpu.memory_space<vmem>> -> memref<128xi32, #tpu.memory_space<vmem>>
    %dma_start3A_23 = arith.constant 0 : i32
    %dma_start3A_24 = arith.constant 0 : i32
    %dma_start3A_25 = tpu.memref_slice %arg2[%dma_start3A_23, %dma_start3A_24] : memref<16384x16xf32, #tpu.memory_space<hbm>> -> memref<16384x16xf32, #tpu.memory_space<hbm>>
    tpu.enqueue_indirect_dma source(%dma_start3A_25 : memref<16384x16xf32, #tpu.memory_space<hbm>>) target(%dma_start3A_20 : memref<128x16xf32, #tpu.memory_space<vmem>>) offsets(%dma_start3A_22 : memref<128xi32, #tpu.memory_space<vmem>>) semaphore(%arg7 : memref<!tpu.dma_semaphore, #tpu.memory_space<semaphore_mem>>)
    %dma_start3A_26 = arith.constant 384 : i32
    %dma_start3A_27 = arith.constant 0 : i32
    %dma_start3A_28 = tpu.memref_slice %arg6[%dma_start3A_26, %dma_start3A_27] : memref<512x16xf32, #tpu.memory_space<vmem>> -> memref<128x16xf32, #tpu.memory_space<vmem>>
    %dma_start3A_29 = arith.constant 384 : i32
    %dma_start3A_30 = tpu.memref_slice %arg5[%dma_start3A_29] : memref<512xi32, #tpu.memory_space<vmem>> -> memref<128xi32, #tpu.memory_space<vmem>>
    %dma_start3A_31 = arith.constant 0 : i32
    %dma_start3A_32 = arith.constant 0 : i32
    %dma_start3A_33 = tpu.memref_slice %arg2[%dma_start3A_31, %dma_start3A_32] : memref<16384x16xf32, #tpu.memory_space<hbm>> -> memref<16384x16xf32, #tpu.memory_space<hbm>>
    tpu.enqueue_indirect_dma source(%dma_start3A_33 : memref<16384x16xf32, #tpu.memory_space<hbm>>) target(%dma_start3A_28 : memref<128x16xf32, #tpu.memory_space<vmem>>) offsets(%dma_start3A_30 : memref<128xi32, #tpu.memory_space<vmem>>) semaphore(%arg7 : memref<!tpu.dma_semaphore, #tpu.memory_space<semaphore_mem>>)
    %dma_wait3A = arith.constant 0 : i32
    %dma_wait3A_34 = arith.constant 0 : i32
    %dma_wait3A_35 = tpu.memref_slice %arg6[%dma_wait3A, %dma_wait3A_34] : memref<512x16xf32, #tpu.memory_space<vmem>> -> memref<128x16xf32, #tpu.memory_space<vmem>>
    %dma_wait3A_36 = arith.constant 0 : i32
    %dma_wait3A_37 = tpu.memref_slice %arg5[%dma_wait3A_36] : memref<512xi32, #tpu.memory_space<vmem>> -> memref<128xi32, #tpu.memory_space<vmem>>
    %dma_wait3A_38 = arith.constant 0 : i32
    %dma_wait3A_39 = arith.constant 0 : i32
    %dma_wait3A_40 = tpu.memref_slice %arg2[%dma_wait3A_38, %dma_wait3A_39] : memref<16384x16xf32, #tpu.memory_space<hbm>> -> memref<16384x16xf32, #tpu.memory_space<hbm>>
    tpu.wait_indirect_dma semaphore(%arg7 : memref<!tpu.dma_semaphore, #tpu.memory_space<semaphore_mem>>) src(%dma_wait3A_40 : memref<16384x16xf32, #tpu.memory_space<hbm>>) dst(%dma_wait3A_35 : memref<128x16xf32, #tpu.memory_space<vmem>>)
    %dma_wait3A_41 = arith.constant 128 : i32
    %dma_wait3A_42 = arith.constant 0 : i32
    %dma_wait3A_43 = tpu.memref_slice %arg6[%dma_wait3A_41, %dma_wait3A_42] : memref<512x16xf32, #tpu.memory_space<vmem>> -> memref<128x16xf32, #tpu.memory_space<vmem>>
    %dma_wait3A_44 = arith.constant 128 : i32
    %dma_wait3A_45 = tpu.memref_slice %arg5[%dma_wait3A_44] : memref<512xi32, #tpu.memory_space<vmem>> -> memref<128xi32, #tpu.memory_space<vmem>>
    %dma_wait3A_46 = arith.constant 0 : i32
    %dma_wait3A_47 = arith.constant 0 : i32
    %dma_wait3A_48 = tpu.memref_slice %arg2[%dma_wait3A_46, %dma_wait3A_47] : memref<16384x16xf32, #tpu.memory_space<hbm>> -> memref<16384x16xf32, #tpu.memory_space<hbm>>
    tpu.wait_indirect_dma semaphore(%arg7 : memref<!tpu.dma_semaphore, #tpu.memory_space<semaphore_mem>>) src(%dma_wait3A_48 : memref<16384x16xf32, #tpu.memory_space<hbm>>) dst(%dma_wait3A_43 : memref<128x16xf32, #tpu.memory_space<vmem>>)
    %dma_wait3A_49 = arith.constant 256 : i32
    %dma_wait3A_50 = arith.constant 0 : i32
    %dma_wait3A_51 = tpu.memref_slice %arg6[%dma_wait3A_49, %dma_wait3A_50] : memref<512x16xf32, #tpu.memory_space<vmem>> -> memref<128x16xf32, #tpu.memory_space<vmem>>
    %dma_wait3A_52 = arith.constant 256 : i32
    %dma_wait3A_53 = tpu.memref_slice %arg5[%dma_wait3A_52] : memref<512xi32, #tpu.memory_space<vmem>> -> memref<128xi32, #tpu.memory_space<vmem>>
    %dma_wait3A_54 = arith.constant 0 : i32
    %dma_wait3A_55 = arith.constant 0 : i32
    %dma_wait3A_56 = tpu.memref_slice %arg2[%dma_wait3A_54, %dma_wait3A_55] : memref<16384x16xf32, #tpu.memory_space<hbm>> -> memref<16384x16xf32, #tpu.memory_space<hbm>>
    tpu.wait_indirect_dma semaphore(%arg7 : memref<!tpu.dma_semaphore, #tpu.memory_space<semaphore_mem>>) src(%dma_wait3A_56 : memref<16384x16xf32, #tpu.memory_space<hbm>>) dst(%dma_wait3A_51 : memref<128x16xf32, #tpu.memory_space<vmem>>)
    %dma_wait3A_57 = arith.constant 384 : i32
    %dma_wait3A_58 = arith.constant 0 : i32
    %dma_wait3A_59 = tpu.memref_slice %arg6[%dma_wait3A_57, %dma_wait3A_58] : memref<512x16xf32, #tpu.memory_space<vmem>> -> memref<128x16xf32, #tpu.memory_space<vmem>>
    %dma_wait3A_60 = arith.constant 384 : i32
    %dma_wait3A_61 = tpu.memref_slice %arg5[%dma_wait3A_60] : memref<512xi32, #tpu.memory_space<vmem>> -> memref<128xi32, #tpu.memory_space<vmem>>
    %dma_wait3A_62 = arith.constant 0 : i32
    %dma_wait3A_63 = arith.constant 0 : i32
    %dma_wait3A_64 = tpu.memref_slice %arg2[%dma_wait3A_62, %dma_wait3A_63] : memref<16384x16xf32, #tpu.memory_space<hbm>> -> memref<16384x16xf32, #tpu.memory_space<hbm>>
    tpu.wait_indirect_dma semaphore(%arg7 : memref<!tpu.dma_semaphore, #tpu.memory_space<semaphore_mem>>) src(%dma_wait3A_64 : memref<16384x16xf32, #tpu.memory_space<hbm>>) dst(%dma_wait3A_59 : memref<128x16xf32, #tpu.memory_space<vmem>>)
    "tpu.region"() ({
      %run_scoped3A = tpu.sem_alloc : memref<!tpu.dma_semaphore, #tpu.memory_space<semaphore_mem>>
      %dma_start3A_65 = arith.constant 0 : i32
      %dma_start3A_66 = tpu.memref_slice %arg4[%mul3A_2, %dma_start3A_65] : memref<16384x16xf32, #tpu.memory_space<hbm>> -> memref<512x16xf32, #tpu.memory_space<hbm>>
      %dma_start3A_67 = arith.constant 0 : i32
      %dma_start3A_68 = tpu.memref_slice %arg4[%mul3A_2, %dma_start3A_67] : memref<16384x16xf32, #tpu.memory_space<hbm>> -> memref<512x16xf32, #tpu.memory_space<hbm>>
      tpu.enqueue_dma source(%arg6 : memref<512x16xf32, #tpu.memory_space<vmem>>) target(%dma_start3A_68 : memref<512x16xf32, #tpu.memory_space<hbm>>) target_semaphore(%run_scoped3A : memref<!tpu.dma_semaphore, #tpu.memory_space<semaphore_mem>>)
      %dma_wait3A_69 = arith.constant 0 : i32
      %dma_wait3A_70 = tpu.memref_slice %arg4[%mul3A_2, %dma_wait3A_69] : memref<16384x16xf32, #tpu.memory_space<hbm>> -> memref<512x16xf32, #tpu.memory_space<hbm>>
      %dma_wait3A_71 = arith.constant 0 : i32
      %dma_wait3A_72 = tpu.memref_slice %arg4[%mul3A_2, %dma_wait3A_71] : memref<16384x16xf32, #tpu.memory_space<hbm>> -> memref<512x16xf32, #tpu.memory_space<hbm>>
      tpu.wait_dma2 semaphore(%run_scoped3A : memref<!tpu.dma_semaphore, #tpu.memory_space<semaphore_mem>>) src(%arg6 : memref<512x16xf32, #tpu.memory_space<vmem>>) dst(%dma_wait3A_72 : memref<512x16xf32, #tpu.memory_space<hbm>>)
      tpu.yield
    }) : () -> ()
    return
  }
}

module attributes {stable_mosaic.version = 14 : i64} {
  func.func @_conv1_body(%arg0: i32, %arg1: memref<2048x13xf32, #tpu.memory_space<vmem>>, %arg2: memref<13x16xf32, #tpu.memory_space<vmem>>, %arg3: memref<1x16xf32, #tpu.memory_space<vmem>>, %arg4: memref<16x16xf32, #tpu.memory_space<vmem>>, %arg5: memref<1x16xf32, #tpu.memory_space<vmem>>, %arg6: memref<32x16xf32, #tpu.memory_space<vmem>>, %arg7: memref<1x16xf32, #tpu.memory_space<vmem>>, %arg8: memref<16x16xf32, #tpu.memory_space<vmem>>, %arg9: memref<1x16xf32, #tpu.memory_space<vmem>>, %arg10: memref<2048x16xf32, #tpu.memory_space<vmem>>) attributes {dimension_semantics = [#tpu.dimension_semantics<arbitrary>], iteration_bounds = array<i64: 8>, scalar_prefetch = 0 : i64, scratch_operands = 0 : i64, tpu.core_type = #tpu.core_type<tc>, window_params = [{transform_indices = @transform_0, window_bounds = array<i64: 2048, 13>}, {pipeline_mode = #tpu.pipeline_mode<synchronous>, transform_indices = @transform_1, window_bounds = array<i64: 13, 16>}, {pipeline_mode = #tpu.pipeline_mode<synchronous>, transform_indices = @transform_2, window_bounds = array<i64: 1, 16>}, {pipeline_mode = #tpu.pipeline_mode<synchronous>, transform_indices = @transform_3, window_bounds = array<i64: 16, 16>}, {pipeline_mode = #tpu.pipeline_mode<synchronous>, transform_indices = @transform_4, window_bounds = array<i64: 1, 16>}, {pipeline_mode = #tpu.pipeline_mode<synchronous>, transform_indices = @transform_5, window_bounds = array<i64: 32, 16>}, {pipeline_mode = #tpu.pipeline_mode<synchronous>, transform_indices = @transform_6, window_bounds = array<i64: 1, 16>}, {pipeline_mode = #tpu.pipeline_mode<synchronous>, transform_indices = @transform_7, window_bounds = array<i64: 16, 16>}, {pipeline_mode = #tpu.pipeline_mode<synchronous>, transform_indices = @transform_8, window_bounds = array<i64: 1, 16>}, {transform_indices = @transform_9, window_bounds = array<i64: 2048, 16>}]} {
    %get3A = arith.constant 0 : index
    %get3A_0 = arith.constant 0 : index
    %get3A_1 = vector.load %arg1[%get3A, %get3A_0] : memref<2048x13xf32, #tpu.memory_space<vmem>>, vector<2048x13xf32>
    %get3A_2 = arith.constant 0 : index
    %get3A_3 = arith.constant 0 : index
    %get3A_4 = vector.load %arg2[%get3A_2, %get3A_3] : memref<13x16xf32, #tpu.memory_space<vmem>>, vector<13x16xf32>
    %dot_general3A = arith.constant dense<0.000000e+00> : vector<2048x16xf32>
    %dot_general3A_5 = tpu.matmul %get3A_1, %get3A_4, %dot_general3A {dimension_numbers = #tpu.dot_dimension_numbers<[1], [0], [0], [1], [0, 0, 1, 1], [], []>, precision = #tpu.contract_precision<fp32>, transpose_lhs_hint = false} : vector<2048x13xf32>, vector<13x16xf32>, vector<2048x16xf32> -> vector<2048x16xf32>
    %get3A_6 = arith.constant 0 : index
    %get3A_7 = arith.constant 0 : index
    %get3A_8 = vector.load %arg3[%get3A_6, %get3A_7] : memref<1x16xf32, #tpu.memory_space<vmem>>, vector<1x16xf32>
    %add3A = vector.broadcast %get3A_8 : vector<1x16xf32> to vector<2048x16xf32>
    %add3A_9 = arith.addf %dot_general3A_5, %add3A : vector<2048x16xf32>
    %neg3A = arith.constant 0.000000e+00 : f32
    %neg3A_10 = vector.broadcast %neg3A : f32 to vector<2048x16xf32>
    %neg3A_11 = arith.subf %neg3A_10, %add3A_9 : vector<2048x16xf32>
    %exp3A = math.exp %neg3A_11 : vector<2048x16xf32>
    %add3A_12 = arith.constant 1.000000e+00 : f32
    %add3A_13 = vector.broadcast %add3A_12 : f32 to vector<2048x16xf32>
    %add3A_14 = arith.addf %add3A_13, %exp3A : vector<2048x16xf32>
    %div3A = arith.constant 1.000000e+00 : f32
    %div3A_15 = vector.broadcast %div3A : f32 to vector<2048x16xf32>
    %div3A_16 = arith.divf %div3A_15, %add3A_14 : vector<2048x16xf32>
    %mul3A = arith.mulf %add3A_9, %div3A_16 : vector<2048x16xf32>
    %get3A_17 = arith.constant 0 : index
    %get3A_18 = arith.constant 0 : index
    %get3A_19 = vector.load %arg4[%get3A_17, %get3A_18] : memref<16x16xf32, #tpu.memory_space<vmem>>, vector<16x16xf32>
    %dot_general3A_20 = arith.constant dense<0.000000e+00> : vector<2048x16xf32>
    %dot_general3A_21 = tpu.matmul %mul3A, %get3A_19, %dot_general3A_20 {dimension_numbers = #tpu.dot_dimension_numbers<[1], [0], [0], [1], [0, 0, 1, 1], [], []>, precision = #tpu.contract_precision<fp32>, transpose_lhs_hint = false} : vector<2048x16xf32>, vector<16x16xf32>, vector<2048x16xf32> -> vector<2048x16xf32>
    %get3A_22 = arith.constant 0 : index
    %get3A_23 = arith.constant 0 : index
    %get3A_24 = vector.load %arg5[%get3A_22, %get3A_23] : memref<1x16xf32, #tpu.memory_space<vmem>>, vector<1x16xf32>
    %add3A_25 = vector.broadcast %get3A_24 : vector<1x16xf32> to vector<2048x16xf32>
    %add3A_26 = arith.addf %dot_general3A_21, %add3A_25 : vector<2048x16xf32>
    %slice3A = vector.extract_strided_slice %add3A_26 {offsets = [0, 0], sizes = [256, 16], strides = [1, 1]} : vector<2048x16xf32> to vector<256x16xf32>
    %slice3A_27 = vector.extract_strided_slice %add3A_26 {offsets = [0, 0], sizes = [256, 16], strides = [1, 1]} : vector<2048x16xf32> to vector<256x16xf32>
    %mul3A_28 = arith.mulf %slice3A, %slice3A : vector<256x16xf32>
    %reduce_sum3A = arith.constant dense<0.000000e+00> : vector<256xf32>
    %reduce_sum3A_29 = vector.multi_reduction <add>, %mul3A_28, %reduce_sum3A [1] : vector<256x16xf32> to vector<256xf32>
    %broadcast_in_dim3A = vector.shape_cast %reduce_sum3A_29 : vector<256xf32> to vector<256x1xf32>
    %mul3A_30 = arith.mulf %slice3A_27, %slice3A_27 : vector<256x16xf32>
    %reduce_sum3A_31 = arith.constant dense<0.000000e+00> : vector<256xf32>
    %reduce_sum3A_32 = vector.multi_reduction <add>, %mul3A_30, %reduce_sum3A_31 [1] : vector<256x16xf32> to vector<256xf32>
    %broadcast_in_dim3A_33 = vector.shape_cast %reduce_sum3A_32 : vector<256xf32> to vector<256x1xf32>
    %transpose3A = tpu.transpose %broadcast_in_dim3A, [1, 0] : vector<256x1xf32> -> vector<1x256xf32>
    %add3A_34 = vector.broadcast %broadcast_in_dim3A_33 : vector<256x1xf32> to vector<256x256xf32>
    %add3A_35 = vector.broadcast %transpose3A : vector<1x256xf32> to vector<256x256xf32>
    %add3A_36 = arith.addf %add3A_34, %add3A_35 : vector<256x256xf32>
    %transpose3A_37 = tpu.transpose %slice3A, [1, 0] : vector<256x16xf32> -> vector<16x256xf32>
    %dot_general3A_38 = arith.constant dense<0.000000e+00> : vector<256x256xf32>
    %dot_general3A_39 = tpu.matmul %slice3A_27, %transpose3A_37, %dot_general3A_38 {dimension_numbers = #tpu.dot_dimension_numbers<[1], [0], [0], [1], [0, 0, 1, 1], [], []>, precision = #tpu.contract_precision<fp32>, transpose_lhs_hint = false} : vector<256x16xf32>, vector<16x256xf32>, vector<256x256xf32> -> vector<256x256xf32>
    %mul3A_40 = arith.constant 2.000000e+00 : f32
    %mul3A_41 = vector.broadcast %mul3A_40 : f32 to vector<256x256xf32>
    %mul3A_42 = arith.mulf %mul3A_41, %dot_general3A_39 : vector<256x256xf32>
    %sub3A = arith.subf %add3A_36, %mul3A_42 : vector<256x256xf32>
    %max3A = arith.constant 0.000000e+00 : f32
    %max3A_43 = vector.broadcast %max3A : f32 to vector<256x256xf32>
    %max3A_44 = arith.maximumf %sub3A, %max3A_43 : vector<256x256xf32>
    %bitcast_convert_type3A = tpu.bitcast %max3A_44 : vector<256x256xf32> -> vector<256x256xi32>
    %shift_right_arithmetic3A = arith.constant 10 : i32
    %shift_right_arithmetic3A_45 = vector.broadcast %shift_right_arithmetic3A : i32 to vector<256x256xi32>
    %shift_right_arithmetic3A_46 = arith.shrsi %bitcast_convert_type3A, %shift_right_arithmetic3A_45 : vector<256x256xi32>
    %slice3A_47 = vector.extract_strided_slice %add3A_26 {offsets = [256, 0], sizes = [256, 16], strides = [1, 1]} : vector<2048x16xf32> to vector<256x16xf32>
    %slice3A_48 = vector.extract_strided_slice %add3A_26 {offsets = [256, 0], sizes = [256, 16], strides = [1, 1]} : vector<2048x16xf32> to vector<256x16xf32>
    %mul3A_49 = arith.mulf %slice3A_47, %slice3A_47 : vector<256x16xf32>
    %reduce_sum3A_50 = arith.constant dense<0.000000e+00> : vector<256xf32>
    %reduce_sum3A_51 = vector.multi_reduction <add>, %mul3A_49, %reduce_sum3A_50 [1] : vector<256x16xf32> to vector<256xf32>
    %broadcast_in_dim3A_52 = vector.shape_cast %reduce_sum3A_51 : vector<256xf32> to vector<256x1xf32>
    %mul3A_53 = arith.mulf %slice3A_48, %slice3A_48 : vector<256x16xf32>
    %reduce_sum3A_54 = arith.constant dense<0.000000e+00> : vector<256xf32>
    %reduce_sum3A_55 = vector.multi_reduction <add>, %mul3A_53, %reduce_sum3A_54 [1] : vector<256x16xf32> to vector<256xf32>
    %broadcast_in_dim3A_56 = vector.shape_cast %reduce_sum3A_55 : vector<256xf32> to vector<256x1xf32>
    %transpose3A_57 = tpu.transpose %broadcast_in_dim3A_52, [1, 0] : vector<256x1xf32> -> vector<1x256xf32>
    %add3A_58 = vector.broadcast %broadcast_in_dim3A_56 : vector<256x1xf32> to vector<256x256xf32>
    %add3A_59 = vector.broadcast %transpose3A_57 : vector<1x256xf32> to vector<256x256xf32>
    %add3A_60 = arith.addf %add3A_58, %add3A_59 : vector<256x256xf32>
    %transpose3A_61 = tpu.transpose %slice3A_47, [1, 0] : vector<256x16xf32> -> vector<16x256xf32>
    %dot_general3A_62 = arith.constant dense<0.000000e+00> : vector<256x256xf32>
    %dot_general3A_63 = tpu.matmul %slice3A_48, %transpose3A_61, %dot_general3A_62 {dimension_numbers = #tpu.dot_dimension_numbers<[1], [0], [0], [1], [0, 0, 1, 1], [], []>, precision = #tpu.contract_precision<fp32>, transpose_lhs_hint = false} : vector<256x16xf32>, vector<16x256xf32>, vector<256x256xf32> -> vector<256x256xf32>
    %mul3A_64 = arith.constant 2.000000e+00 : f32
    %mul3A_65 = vector.broadcast %mul3A_64 : f32 to vector<256x256xf32>
    %mul3A_66 = arith.mulf %mul3A_65, %dot_general3A_63 : vector<256x256xf32>
    %sub3A_67 = arith.subf %add3A_60, %mul3A_66 : vector<256x256xf32>
    %max3A_68 = arith.constant 0.000000e+00 : f32
    %max3A_69 = vector.broadcast %max3A_68 : f32 to vector<256x256xf32>
    %max3A_70 = arith.maximumf %sub3A_67, %max3A_69 : vector<256x256xf32>
    %bitcast_convert_type3A_71 = tpu.bitcast %max3A_70 : vector<256x256xf32> -> vector<256x256xi32>
    %shift_right_arithmetic3A_72 = arith.constant 10 : i32
    %shift_right_arithmetic3A_73 = vector.broadcast %shift_right_arithmetic3A_72 : i32 to vector<256x256xi32>
    %shift_right_arithmetic3A_74 = arith.shrsi %bitcast_convert_type3A_71, %shift_right_arithmetic3A_73 : vector<256x256xi32>
    %slice3A_75 = vector.extract_strided_slice %add3A_26 {offsets = [512, 0], sizes = [256, 16], strides = [1, 1]} : vector<2048x16xf32> to vector<256x16xf32>
    %slice3A_76 = vector.extract_strided_slice %add3A_26 {offsets = [512, 0], sizes = [256, 16], strides = [1, 1]} : vector<2048x16xf32> to vector<256x16xf32>
    %mul3A_77 = arith.mulf %slice3A_75, %slice3A_75 : vector<256x16xf32>
    %reduce_sum3A_78 = arith.constant dense<0.000000e+00> : vector<256xf32>
    %reduce_sum3A_79 = vector.multi_reduction <add>, %mul3A_77, %reduce_sum3A_78 [1] : vector<256x16xf32> to vector<256xf32>
    %broadcast_in_dim3A_80 = vector.shape_cast %reduce_sum3A_79 : vector<256xf32> to vector<256x1xf32>
    %mul3A_81 = arith.mulf %slice3A_76, %slice3A_76 : vector<256x16xf32>
    %reduce_sum3A_82 = arith.constant dense<0.000000e+00> : vector<256xf32>
    %reduce_sum3A_83 = vector.multi_reduction <add>, %mul3A_81, %reduce_sum3A_82 [1] : vector<256x16xf32> to vector<256xf32>
    %broadcast_in_dim3A_84 = vector.shape_cast %reduce_sum3A_83 : vector<256xf32> to vector<256x1xf32>
    %transpose3A_85 = tpu.transpose %broadcast_in_dim3A_80, [1, 0] : vector<256x1xf32> -> vector<1x256xf32>
    %add3A_86 = vector.broadcast %broadcast_in_dim3A_84 : vector<256x1xf32> to vector<256x256xf32>
    %add3A_87 = vector.broadcast %transpose3A_85 : vector<1x256xf32> to vector<256x256xf32>
    %add3A_88 = arith.addf %add3A_86, %add3A_87 : vector<256x256xf32>
    %transpose3A_89 = tpu.transpose %slice3A_75, [1, 0] : vector<256x16xf32> -> vector<16x256xf32>
    %dot_general3A_90 = arith.constant dense<0.000000e+00> : vector<256x256xf32>
    %dot_general3A_91 = tpu.matmul %slice3A_76, %transpose3A_89, %dot_general3A_90 {dimension_numbers = #tpu.dot_dimension_numbers<[1], [0], [0], [1], [0, 0, 1, 1], [], []>, precision = #tpu.contract_precision<fp32>, transpose_lhs_hint = false} : vector<256x16xf32>, vector<16x256xf32>, vector<256x256xf32> -> vector<256x256xf32>
    %mul3A_92 = arith.constant 2.000000e+00 : f32
    %mul3A_93 = vector.broadcast %mul3A_92 : f32 to vector<256x256xf32>
    %mul3A_94 = arith.mulf %mul3A_93, %dot_general3A_91 : vector<256x256xf32>
    %sub3A_95 = arith.subf %add3A_88, %mul3A_94 : vector<256x256xf32>
    %max3A_96 = arith.constant 0.000000e+00 : f32
    %max3A_97 = vector.broadcast %max3A_96 : f32 to vector<256x256xf32>
    %max3A_98 = arith.maximumf %sub3A_95, %max3A_97 : vector<256x256xf32>
    %bitcast_convert_type3A_99 = tpu.bitcast %max3A_98 : vector<256x256xf32> -> vector<256x256xi32>
    %shift_right_arithmetic3A_100 = arith.constant 10 : i32
    %shift_right_arithmetic3A_101 = vector.broadcast %shift_right_arithmetic3A_100 : i32 to vector<256x256xi32>
    %shift_right_arithmetic3A_102 = arith.shrsi %bitcast_convert_type3A_99, %shift_right_arithmetic3A_101 : vector<256x256xi32>
    %slice3A_103 = vector.extract_strided_slice %add3A_26 {offsets = [768, 0], sizes = [256, 16], strides = [1, 1]} : vector<2048x16xf32> to vector<256x16xf32>
    %slice3A_104 = vector.extract_strided_slice %add3A_26 {offsets = [768, 0], sizes = [256, 16], strides = [1, 1]} : vector<2048x16xf32> to vector<256x16xf32>
    %mul3A_105 = arith.mulf %slice3A_103, %slice3A_103 : vector<256x16xf32>
    %reduce_sum3A_106 = arith.constant dense<0.000000e+00> : vector<256xf32>
    %reduce_sum3A_107 = vector.multi_reduction <add>, %mul3A_105, %reduce_sum3A_106 [1] : vector<256x16xf32> to vector<256xf32>
    %broadcast_in_dim3A_108 = vector.shape_cast %reduce_sum3A_107 : vector<256xf32> to vector<256x1xf32>
    %mul3A_109 = arith.mulf %slice3A_104, %slice3A_104 : vector<256x16xf32>
    %reduce_sum3A_110 = arith.constant dense<0.000000e+00> : vector<256xf32>
    %reduce_sum3A_111 = vector.multi_reduction <add>, %mul3A_109, %reduce_sum3A_110 [1] : vector<256x16xf32> to vector<256xf32>
    %broadcast_in_dim3A_112 = vector.shape_cast %reduce_sum3A_111 : vector<256xf32> to vector<256x1xf32>
    %transpose3A_113 = tpu.transpose %broadcast_in_dim3A_108, [1, 0] : vector<256x1xf32> -> vector<1x256xf32>
    %add3A_114 = vector.broadcast %broadcast_in_dim3A_112 : vector<256x1xf32> to vector<256x256xf32>
    %add3A_115 = vector.broadcast %transpose3A_113 : vector<1x256xf32> to vector<256x256xf32>
    %add3A_116 = arith.addf %add3A_114, %add3A_115 : vector<256x256xf32>
    %transpose3A_117 = tpu.transpose %slice3A_103, [1, 0] : vector<256x16xf32> -> vector<16x256xf32>
    %dot_general3A_118 = arith.constant dense<0.000000e+00> : vector<256x256xf32>
    %dot_general3A_119 = tpu.matmul %slice3A_104, %transpose3A_117, %dot_general3A_118 {dimension_numbers = #tpu.dot_dimension_numbers<[1], [0], [0], [1], [0, 0, 1, 1], [], []>, precision = #tpu.contract_precision<fp32>, transpose_lhs_hint = false} : vector<256x16xf32>, vector<16x256xf32>, vector<256x256xf32> -> vector<256x256xf32>
    %mul3A_120 = arith.constant 2.000000e+00 : f32
    %mul3A_121 = vector.broadcast %mul3A_120 : f32 to vector<256x256xf32>
    %mul3A_122 = arith.mulf %mul3A_121, %dot_general3A_119 : vector<256x256xf32>
    %sub3A_123 = arith.subf %add3A_116, %mul3A_122 : vector<256x256xf32>
    %max3A_124 = arith.constant 0.000000e+00 : f32
    %max3A_125 = vector.broadcast %max3A_124 : f32 to vector<256x256xf32>
    %max3A_126 = arith.maximumf %sub3A_123, %max3A_125 : vector<256x256xf32>
    %bitcast_convert_type3A_127 = tpu.bitcast %max3A_126 : vector<256x256xf32> -> vector<256x256xi32>
    %shift_right_arithmetic3A_128 = arith.constant 10 : i32
    %shift_right_arithmetic3A_129 = vector.broadcast %shift_right_arithmetic3A_128 : i32 to vector<256x256xi32>
    %shift_right_arithmetic3A_130 = arith.shrsi %bitcast_convert_type3A_127, %shift_right_arithmetic3A_129 : vector<256x256xi32>
    %slice3A_131 = vector.extract_strided_slice %add3A_26 {offsets = [1024, 0], sizes = [256, 16], strides = [1, 1]} : vector<2048x16xf32> to vector<256x16xf32>
    %slice3A_132 = vector.extract_strided_slice %add3A_26 {offsets = [1024, 0], sizes = [256, 16], strides = [1, 1]} : vector<2048x16xf32> to vector<256x16xf32>
    %mul3A_133 = arith.mulf %slice3A_131, %slice3A_131 : vector<256x16xf32>
    %reduce_sum3A_134 = arith.constant dense<0.000000e+00> : vector<256xf32>
    %reduce_sum3A_135 = vector.multi_reduction <add>, %mul3A_133, %reduce_sum3A_134 [1] : vector<256x16xf32> to vector<256xf32>
    %broadcast_in_dim3A_136 = vector.shape_cast %reduce_sum3A_135 : vector<256xf32> to vector<256x1xf32>
    %mul3A_137 = arith.mulf %slice3A_132, %slice3A_132 : vector<256x16xf32>
    %reduce_sum3A_138 = arith.constant dense<0.000000e+00> : vector<256xf32>
    %reduce_sum3A_139 = vector.multi_reduction <add>, %mul3A_137, %reduce_sum3A_138 [1] : vector<256x16xf32> to vector<256xf32>
    %broadcast_in_dim3A_140 = vector.shape_cast %reduce_sum3A_139 : vector<256xf32> to vector<256x1xf32>
    %transpose3A_141 = tpu.transpose %broadcast_in_dim3A_136, [1, 0] : vector<256x1xf32> -> vector<1x256xf32>
    %add3A_142 = vector.broadcast %broadcast_in_dim3A_140 : vector<256x1xf32> to vector<256x256xf32>
    %add3A_143 = vector.broadcast %transpose3A_141 : vector<1x256xf32> to vector<256x256xf32>
    %add3A_144 = arith.addf %add3A_142, %add3A_143 : vector<256x256xf32>
    %transpose3A_145 = tpu.transpose %slice3A_131, [1, 0] : vector<256x16xf32> -> vector<16x256xf32>
    %dot_general3A_146 = arith.constant dense<0.000000e+00> : vector<256x256xf32>
    %dot_general3A_147 = tpu.matmul %slice3A_132, %transpose3A_145, %dot_general3A_146 {dimension_numbers = #tpu.dot_dimension_numbers<[1], [0], [0], [1], [0, 0, 1, 1], [], []>, precision = #tpu.contract_precision<fp32>, transpose_lhs_hint = false} : vector<256x16xf32>, vector<16x256xf32>, vector<256x256xf32> -> vector<256x256xf32>
    %mul3A_148 = arith.constant 2.000000e+00 : f32
    %mul3A_149 = vector.broadcast %mul3A_148 : f32 to vector<256x256xf32>
    %mul3A_150 = arith.mulf %mul3A_149, %dot_general3A_147 : vector<256x256xf32>
    %sub3A_151 = arith.subf %add3A_144, %mul3A_150 : vector<256x256xf32>
    %max3A_152 = arith.constant 0.000000e+00 : f32
    %max3A_153 = vector.broadcast %max3A_152 : f32 to vector<256x256xf32>
    %max3A_154 = arith.maximumf %sub3A_151, %max3A_153 : vector<256x256xf32>
    %bitcast_convert_type3A_155 = tpu.bitcast %max3A_154 : vector<256x256xf32> -> vector<256x256xi32>
    %shift_right_arithmetic3A_156 = arith.constant 10 : i32
    %shift_right_arithmetic3A_157 = vector.broadcast %shift_right_arithmetic3A_156 : i32 to vector<256x256xi32>
    %shift_right_arithmetic3A_158 = arith.shrsi %bitcast_convert_type3A_155, %shift_right_arithmetic3A_157 : vector<256x256xi32>
    %slice3A_159 = vector.extract_strided_slice %add3A_26 {offsets = [1280, 0], sizes = [256, 16], strides = [1, 1]} : vector<2048x16xf32> to vector<256x16xf32>
    %slice3A_160 = vector.extract_strided_slice %add3A_26 {offsets = [1280, 0], sizes = [256, 16], strides = [1, 1]} : vector<2048x16xf32> to vector<256x16xf32>
    %mul3A_161 = arith.mulf %slice3A_159, %slice3A_159 : vector<256x16xf32>
    %reduce_sum3A_162 = arith.constant dense<0.000000e+00> : vector<256xf32>
    %reduce_sum3A_163 = vector.multi_reduction <add>, %mul3A_161, %reduce_sum3A_162 [1] : vector<256x16xf32> to vector<256xf32>
    %broadcast_in_dim3A_164 = vector.shape_cast %reduce_sum3A_163 : vector<256xf32> to vector<256x1xf32>
    %mul3A_165 = arith.mulf %slice3A_160, %slice3A_160 : vector<256x16xf32>
    %reduce_sum3A_166 = arith.constant dense<0.000000e+00> : vector<256xf32>
    %reduce_sum3A_167 = vector.multi_reduction <add>, %mul3A_165, %reduce_sum3A_166 [1] : vector<256x16xf32> to vector<256xf32>
    %broadcast_in_dim3A_168 = vector.shape_cast %reduce_sum3A_167 : vector<256xf32> to vector<256x1xf32>
    %transpose3A_169 = tpu.transpose %broadcast_in_dim3A_164, [1, 0] : vector<256x1xf32> -> vector<1x256xf32>
    %add3A_170 = vector.broadcast %broadcast_in_dim3A_168 : vector<256x1xf32> to vector<256x256xf32>
    %add3A_171 = vector.broadcast %transpose3A_169 : vector<1x256xf32> to vector<256x256xf32>
    %add3A_172 = arith.addf %add3A_170, %add3A_171 : vector<256x256xf32>
    %transpose3A_173 = tpu.transpose %slice3A_159, [1, 0] : vector<256x16xf32> -> vector<16x256xf32>
    %dot_general3A_174 = arith.constant dense<0.000000e+00> : vector<256x256xf32>
    %dot_general3A_175 = tpu.matmul %slice3A_160, %transpose3A_173, %dot_general3A_174 {dimension_numbers = #tpu.dot_dimension_numbers<[1], [0], [0], [1], [0, 0, 1, 1], [], []>, precision = #tpu.contract_precision<fp32>, transpose_lhs_hint = false} : vector<256x16xf32>, vector<16x256xf32>, vector<256x256xf32> -> vector<256x256xf32>
    %mul3A_176 = arith.constant 2.000000e+00 : f32
    %mul3A_177 = vector.broadcast %mul3A_176 : f32 to vector<256x256xf32>
    %mul3A_178 = arith.mulf %mul3A_177, %dot_general3A_175 : vector<256x256xf32>
    %sub3A_179 = arith.subf %add3A_172, %mul3A_178 : vector<256x256xf32>
    %max3A_180 = arith.constant 0.000000e+00 : f32
    %max3A_181 = vector.broadcast %max3A_180 : f32 to vector<256x256xf32>
    %max3A_182 = arith.maximumf %sub3A_179, %max3A_181 : vector<256x256xf32>
    %bitcast_convert_type3A_183 = tpu.bitcast %max3A_182 : vector<256x256xf32> -> vector<256x256xi32>
    %shift_right_arithmetic3A_184 = arith.constant 10 : i32
    %shift_right_arithmetic3A_185 = vector.broadcast %shift_right_arithmetic3A_184 : i32 to vector<256x256xi32>
    %shift_right_arithmetic3A_186 = arith.shrsi %bitcast_convert_type3A_183, %shift_right_arithmetic3A_185 : vector<256x256xi32>
    %slice3A_187 = vector.extract_strided_slice %add3A_26 {offsets = [1536, 0], sizes = [256, 16], strides = [1, 1]} : vector<2048x16xf32> to vector<256x16xf32>
    %slice3A_188 = vector.extract_strided_slice %add3A_26 {offsets = [1536, 0], sizes = [256, 16], strides = [1, 1]} : vector<2048x16xf32> to vector<256x16xf32>
    %mul3A_189 = arith.mulf %slice3A_187, %slice3A_187 : vector<256x16xf32>
    %reduce_sum3A_190 = arith.constant dense<0.000000e+00> : vector<256xf32>
    %reduce_sum3A_191 = vector.multi_reduction <add>, %mul3A_189, %reduce_sum3A_190 [1] : vector<256x16xf32> to vector<256xf32>
    %broadcast_in_dim3A_192 = vector.shape_cast %reduce_sum3A_191 : vector<256xf32> to vector<256x1xf32>
    %mul3A_193 = arith.mulf %slice3A_188, %slice3A_188 : vector<256x16xf32>
    %reduce_sum3A_194 = arith.constant dense<0.000000e+00> : vector<256xf32>
    %reduce_sum3A_195 = vector.multi_reduction <add>, %mul3A_193, %reduce_sum3A_194 [1] : vector<256x16xf32> to vector<256xf32>
    %broadcast_in_dim3A_196 = vector.shape_cast %reduce_sum3A_195 : vector<256xf32> to vector<256x1xf32>
    %transpose3A_197 = tpu.transpose %broadcast_in_dim3A_192, [1, 0] : vector<256x1xf32> -> vector<1x256xf32>
    %add3A_198 = vector.broadcast %broadcast_in_dim3A_196 : vector<256x1xf32> to vector<256x256xf32>
    %add3A_199 = vector.broadcast %transpose3A_197 : vector<1x256xf32> to vector<256x256xf32>
    %add3A_200 = arith.addf %add3A_198, %add3A_199 : vector<256x256xf32>
    %transpose3A_201 = tpu.transpose %slice3A_187, [1, 0] : vector<256x16xf32> -> vector<16x256xf32>
    %dot_general3A_202 = arith.constant dense<0.000000e+00> : vector<256x256xf32>
    %dot_general3A_203 = tpu.matmul %slice3A_188, %transpose3A_201, %dot_general3A_202 {dimension_numbers = #tpu.dot_dimension_numbers<[1], [0], [0], [1], [0, 0, 1, 1], [], []>, precision = #tpu.contract_precision<fp32>, transpose_lhs_hint = false} : vector<256x16xf32>, vector<16x256xf32>, vector<256x256xf32> -> vector<256x256xf32>
    %mul3A_204 = arith.constant 2.000000e+00 : f32
    %mul3A_205 = vector.broadcast %mul3A_204 : f32 to vector<256x256xf32>
    %mul3A_206 = arith.mulf %mul3A_205, %dot_general3A_203 : vector<256x256xf32>
    %sub3A_207 = arith.subf %add3A_200, %mul3A_206 : vector<256x256xf32>
    %max3A_208 = arith.constant 0.000000e+00 : f32
    %max3A_209 = vector.broadcast %max3A_208 : f32 to vector<256x256xf32>
    %max3A_210 = arith.maximumf %sub3A_207, %max3A_209 : vector<256x256xf32>
    %bitcast_convert_type3A_211 = tpu.bitcast %max3A_210 : vector<256x256xf32> -> vector<256x256xi32>
    %shift_right_arithmetic3A_212 = arith.constant 10 : i32
    %shift_right_arithmetic3A_213 = vector.broadcast %shift_right_arithmetic3A_212 : i32 to vector<256x256xi32>
    %shift_right_arithmetic3A_214 = arith.shrsi %bitcast_convert_type3A_211, %shift_right_arithmetic3A_213 : vector<256x256xi32>
    %slice3A_215 = vector.extract_strided_slice %add3A_26 {offsets = [1792, 0], sizes = [256, 16], strides = [1, 1]} : vector<2048x16xf32> to vector<256x16xf32>
    %slice3A_216 = vector.extract_strided_slice %add3A_26 {offsets = [1792, 0], sizes = [256, 16], strides = [1, 1]} : vector<2048x16xf32> to vector<256x16xf32>
    %mul3A_217 = arith.mulf %slice3A_215, %slice3A_215 : vector<256x16xf32>
    %reduce_sum3A_218 = arith.constant dense<0.000000e+00> : vector<256xf32>
    %reduce_sum3A_219 = vector.multi_reduction <add>, %mul3A_217, %reduce_sum3A_218 [1] : vector<256x16xf32> to vector<256xf32>
    %broadcast_in_dim3A_220 = vector.shape_cast %reduce_sum3A_219 : vector<256xf32> to vector<256x1xf32>
    %mul3A_221 = arith.mulf %slice3A_216, %slice3A_216 : vector<256x16xf32>
    %reduce_sum3A_222 = arith.constant dense<0.000000e+00> : vector<256xf32>
    %reduce_sum3A_223 = vector.multi_reduction <add>, %mul3A_221, %reduce_sum3A_222 [1] : vector<256x16xf32> to vector<256xf32>
    %broadcast_in_dim3A_224 = vector.shape_cast %reduce_sum3A_223 : vector<256xf32> to vector<256x1xf32>
    %transpose3A_225 = tpu.transpose %broadcast_in_dim3A_220, [1, 0] : vector<256x1xf32> -> vector<1x256xf32>
    %add3A_226 = vector.broadcast %broadcast_in_dim3A_224 : vector<256x1xf32> to vector<256x256xf32>
    %add3A_227 = vector.broadcast %transpose3A_225 : vector<1x256xf32> to vector<256x256xf32>
    %add3A_228 = arith.addf %add3A_226, %add3A_227 : vector<256x256xf32>
    %transpose3A_229 = tpu.transpose %slice3A_215, [1, 0] : vector<256x16xf32> -> vector<16x256xf32>
    %dot_general3A_230 = arith.constant dense<0.000000e+00> : vector<256x256xf32>
    %dot_general3A_231 = tpu.matmul %slice3A_216, %transpose3A_229, %dot_general3A_230 {dimension_numbers = #tpu.dot_dimension_numbers<[1], [0], [0], [1], [0, 0, 1, 1], [], []>, precision = #tpu.contract_precision<fp32>, transpose_lhs_hint = false} : vector<256x16xf32>, vector<16x256xf32>, vector<256x256xf32> -> vector<256x256xf32>
    %mul3A_232 = arith.constant 2.000000e+00 : f32
    %mul3A_233 = vector.broadcast %mul3A_232 : f32 to vector<256x256xf32>
    %mul3A_234 = arith.mulf %mul3A_233, %dot_general3A_231 : vector<256x256xf32>
    %sub3A_235 = arith.subf %add3A_228, %mul3A_234 : vector<256x256xf32>
    %max3A_236 = arith.constant 0.000000e+00 : f32
    %max3A_237 = vector.broadcast %max3A_236 : f32 to vector<256x256xf32>
    %max3A_238 = arith.maximumf %sub3A_235, %max3A_237 : vector<256x256xf32>
    %bitcast_convert_type3A_239 = tpu.bitcast %max3A_238 : vector<256x256xf32> -> vector<256x256xi32>
    %shift_right_arithmetic3A_240 = arith.constant 10 : i32
    %shift_right_arithmetic3A_241 = vector.broadcast %shift_right_arithmetic3A_240 : i32 to vector<256x256xi32>
    %shift_right_arithmetic3A_242 = arith.shrsi %bitcast_convert_type3A_239, %shift_right_arithmetic3A_241 : vector<256x256xi32>
    %concatenate3A = tpu.concatenate %shift_right_arithmetic3A_46, %shift_right_arithmetic3A_74, %shift_right_arithmetic3A_102, %shift_right_arithmetic3A_130, %shift_right_arithmetic3A_158, %shift_right_arithmetic3A_186, %shift_right_arithmetic3A_214, %shift_right_arithmetic3A_242 in 1 : vector<256x256xi32>, vector<256x256xi32>, vector<256x256xi32>, vector<256x256xi32>, vector<256x256xi32>, vector<256x256xi32>, vector<256x256xi32>, vector<256x256xi32> -> vector<256x2048xi32>
    %reduce_max3A = arith.constant dense<-2147483648> : vector<2048xi32>
    %reduce_max3A_243 = vector.multi_reduction <maxsi>, %concatenate3A, %reduce_max3A [0] : vector<256x2048xi32> to vector<2048xi32>
    %broadcast_in_dim3A_244 = vector.shape_cast %reduce_max3A_243 : vector<2048xi32> to vector<1x2048xi32>
    %broadcast_in_dim3A_245 = arith.constant 0 : i32
    %broadcast_in_dim3A_246 = vector.broadcast %broadcast_in_dim3A_245 : i32 to vector<1x2048xi32>
    %scan3A = arith.constant 0 : i32
    %scan3A_247 = arith.constant 21 : i32
    %scan3A_248 = arith.addi %scan3A, %scan3A_247 : i32
    %scan3A_249 = arith.constant 1 : i32
    %scan3A_250:2 = scf.for %scan3A_523 = %scan3A to %scan3A_248 step %scan3A_249 iter_args(%scan3A_524 = %broadcast_in_dim3A_246, %scan3A_525 = %broadcast_in_dim3A_244) -> (vector<1x2048xi32>, vector<1x2048xi32>)  : i32 {
      %sub3A_526 = arith.subi %scan3A_525, %scan3A_524 : vector<1x2048xi32>
      %shift_right_arithmetic3A_527 = arith.constant 1 : i32
      %shift_right_arithmetic3A_528 = vector.broadcast %shift_right_arithmetic3A_527 : i32 to vector<1x2048xi32>
      %shift_right_arithmetic3A_529 = arith.shrsi %sub3A_526, %shift_right_arithmetic3A_528 : vector<1x2048xi32>
      %add3A_530 = arith.addi %scan3A_524, %shift_right_arithmetic3A_529 : vector<1x2048xi32>
      %le3A = vector.broadcast %add3A_530 : vector<1x2048xi32> to vector<256x2048xi32>
      %le3A_531 = arith.cmpi sle, %concatenate3A, %le3A : vector<256x2048xi32>
      %convert_element_type3A_532 = arith.extui %le3A_531 : vector<256x2048xi1> to vector<256x2048xi32>
      %reduce_sum3A_533 = arith.constant dense<0> : vector<2048xi32>
      %reduce_sum3A_534 = vector.multi_reduction <add>, %convert_element_type3A_532, %reduce_sum3A_533 [0] : vector<256x2048xi32> to vector<2048xi32>
      %broadcast_in_dim3A_535 = vector.shape_cast %reduce_sum3A_534 : vector<2048xi32> to vector<1x2048xi32>
      %ge3A = arith.constant 64 : i32
      %ge3A_536 = vector.broadcast %ge3A : i32 to vector<1x2048xi32>
      %ge3A_537 = arith.cmpi sge, %broadcast_in_dim3A_535, %ge3A_536 : vector<1x2048xi32>
      %add3A_538 = arith.constant 1 : i32
      %add3A_539 = vector.broadcast %add3A_538 : i32 to vector<1x2048xi32>
      %add3A_540 = arith.addi %add3A_530, %add3A_539 : vector<1x2048xi32>
      %select_n3A = arith.select %ge3A_537, %scan3A_524, %add3A_540 : vector<1x2048xi1>, vector<1x2048xi32>
      %select_n3A_541 = arith.select %ge3A_537, %add3A_530, %scan3A_525 : vector<1x2048xi1>, vector<1x2048xi32>
      scf.yield %select_n3A, %select_n3A_541 : vector<1x2048xi32>, vector<1x2048xi32>
    }
    %lt3A = vector.broadcast %scan3A_250#1 : vector<1x2048xi32> to vector<256x2048xi32>
    %lt3A_251 = arith.cmpi slt, %concatenate3A, %lt3A : vector<256x2048xi32>
    %eq3A = vector.broadcast %scan3A_250#1 : vector<1x2048xi32> to vector<256x2048xi32>
    %eq3A_252 = arith.cmpi eq, %concatenate3A, %eq3A : vector<256x2048xi32>
    %convert_element_type3A = arith.extui %lt3A_251 : vector<256x2048xi1> to vector<256x2048xi32>
    %reduce_sum3A_253 = arith.constant dense<0> : vector<2048xi32>
    %reduce_sum3A_254 = vector.multi_reduction <add>, %convert_element_type3A, %reduce_sum3A_253 [0] : vector<256x2048xi32> to vector<2048xi32>
    %broadcast_in_dim3A_255 = vector.shape_cast %reduce_sum3A_254 : vector<2048xi32> to vector<1x2048xi32>
    %sub3A_256 = arith.constant 64 : i32
    %sub3A_257 = vector.broadcast %sub3A_256 : i32 to vector<1x2048xi32>
    %sub3A_258 = arith.subi %sub3A_257, %broadcast_in_dim3A_255 : vector<1x2048xi32>
    %iota3A = tpu.iota {dimensions = array<i32: 0>} : vector<256x256xi32>
    %iota3A_259 = tpu.iota {dimensions = array<i32: 1>} : vector<256x256xi32>
    %lt3A_260 = arith.cmpi slt, %iota3A_259, %iota3A : vector<256x256xi32>
    %convert_element_type3A_261 = arith.extui %lt3A_260 : vector<256x256xi1> to vector<256x256xi32>
    %convert_element_type3A_262 = arith.sitofp %convert_element_type3A_261 : vector<256x256xi32> to vector<256x256xf32>
    %convert_element_type3A_263 = arith.truncf %convert_element_type3A_262 : vector<256x256xf32> to vector<256x256xbf16>
    %convert_element_type3A_264 = arith.extui %eq3A_252 : vector<256x2048xi1> to vector<256x2048xi32>
    %convert_element_type3A_265 = arith.sitofp %convert_element_type3A_264 : vector<256x2048xi32> to vector<256x2048xf32>
    %convert_element_type3A_266 = arith.truncf %convert_element_type3A_265 : vector<256x2048xf32> to vector<256x2048xbf16>
    %dot_general3A_267 = arith.constant dense<0.000000e+00> : vector<256x2048xf32>
    %dot_general3A_268 = tpu.matmul %convert_element_type3A_263, %convert_element_type3A_266, %dot_general3A_267 {dimension_numbers = #tpu.dot_dimension_numbers<[1], [0], [0], [1], [0, 0, 1, 1], [], []>, transpose_lhs_hint = false} : vector<256x256xbf16>, vector<256x2048xbf16>, vector<256x2048xf32> -> vector<256x2048xf32>
    %convert_element_type3A_269 = arith.sitofp %sub3A_258 : vector<1x2048xi32> to vector<1x2048xf32>
    %lt3A_270 = vector.broadcast %convert_element_type3A_269 : vector<1x2048xf32> to vector<256x2048xf32>
    %lt3A_271 = arith.cmpf olt, %dot_general3A_268, %lt3A_270 : vector<256x2048xf32>
    %and3A = arith.andi %eq3A_252, %lt3A_271 : vector<256x2048xi1>
    %or3A = arith.ori %lt3A_251, %and3A : vector<256x2048xi1>
    %convert_element_type3A_272 = arith.extui %or3A : vector<256x2048xi1> to vector<256x2048xi32>
    %convert_element_type3A_273 = arith.sitofp %convert_element_type3A_272 : vector<256x2048xi32> to vector<256x2048xf32>
    %get3A_274 = arith.constant 0 : index
    %get3A_275 = arith.constant 0 : index
    %get3A_276 = vector.load %arg6[%get3A_274, %get3A_275] : memref<32x16xf32, #tpu.memory_space<vmem>>, vector<32x16xf32>
    %get3A_277 = arith.constant 0 : index
    %get3A_278 = arith.constant 0 : index
    %get3A_279 = vector.load %arg7[%get3A_277, %get3A_278] : memref<1x16xf32, #tpu.memory_space<vmem>>, vector<1x16xf32>
    %slice3A_280 = vector.extract_strided_slice %get3A_276 {offsets = [0, 0], sizes = [16, 16], strides = [1, 1]} : vector<32x16xf32> to vector<16x16xf32>
    %slice3A_281 = vector.extract_strided_slice %get3A_276 {offsets = [16, 0], sizes = [16, 16], strides = [1, 1]} : vector<32x16xf32> to vector<16x16xf32>
    %sub3A_282 = arith.subf %slice3A_280, %slice3A_281 : vector<16x16xf32>
    %dot_general3A_283 = arith.constant dense<0.000000e+00> : vector<2048x16xf32>
    %dot_general3A_284 = tpu.matmul %add3A_26, %sub3A_282, %dot_general3A_283 {dimension_numbers = #tpu.dot_dimension_numbers<[1], [0], [0], [1], [0, 0, 1, 1], [], []>, precision = #tpu.contract_precision<fp32>, transpose_lhs_hint = false} : vector<2048x16xf32>, vector<16x16xf32>, vector<2048x16xf32> -> vector<2048x16xf32>
    %add3A_285 = vector.broadcast %get3A_279 : vector<1x16xf32> to vector<2048x16xf32>
    %add3A_286 = arith.addf %dot_general3A_284, %add3A_285 : vector<2048x16xf32>
    %dot_general3A_287 = arith.constant dense<0.000000e+00> : vector<2048x16xf32>
    %dot_general3A_288 = tpu.matmul %add3A_26, %slice3A_281, %dot_general3A_287 {dimension_numbers = #tpu.dot_dimension_numbers<[1], [0], [0], [1], [0, 0, 1, 1], [], []>, precision = #tpu.contract_precision<fp32>, transpose_lhs_hint = false} : vector<2048x16xf32>, vector<16x16xf32>, vector<2048x16xf32> -> vector<2048x16xf32>
    %convert_element_type3A_289 = arith.truncf %add3A_286 : vector<2048x16xf32> to vector<2048x16xbf16>
    %convert_element_type3A_290 = arith.truncf %dot_general3A_288 : vector<2048x16xf32> to vector<2048x16xbf16>
    %slice3A_291 = vector.extract_strided_slice %convert_element_type3A_289 {offsets = [0, 0], sizes = [256, 16], strides = [1, 1]} : vector<2048x16xbf16> to vector<256x16xbf16>
    %transpose3A_292 = tpu.transpose %slice3A_291, [1, 0] : vector<256x16xbf16> -> vector<16x256xbf16>
    %slice3A_293 = vector.extract_strided_slice %convert_element_type3A_290 {offsets = [0, 0], sizes = [256, 16], strides = [1, 1]} : vector<2048x16xbf16> to vector<256x16xbf16>
    %broadcast_in_dim3A_294 = vector.shape_cast %slice3A_293 : vector<256x16xbf16> to vector<256x16x1xbf16>
    %broadcast_in_dim3A_295 = vector.shape_cast %transpose3A_292 : vector<16x256xbf16> to vector<1x16x256xbf16>
    %add3A_296 = vector.broadcast %broadcast_in_dim3A_294 : vector<256x16x1xbf16> to vector<256x16x256xbf16>
    %add3A_297 = vector.broadcast %broadcast_in_dim3A_295 : vector<1x16x256xbf16> to vector<256x16x256xbf16>
    %add3A_298 = arith.addf %add3A_296, %add3A_297 : vector<256x16x256xbf16>
    %neg3A_299 = arith.constant 0.000000e+00 : bf16
    %neg3A_300 = vector.broadcast %neg3A_299 : bf16 to vector<256x16x256xbf16>
    %neg3A_301 = arith.subf %neg3A_300, %add3A_298 : vector<256x16x256xbf16>
    %exp3A_302 = math.exp %neg3A_301 : vector<256x16x256xbf16>
    %add3A_303 = arith.constant 1.000000e+00 : bf16
    %add3A_304 = vector.broadcast %add3A_303 : bf16 to vector<256x16x256xbf16>
    %add3A_305 = arith.addf %add3A_304, %exp3A_302 : vector<256x16x256xbf16>
    %div3A_306 = arith.constant 1.000000e+00 : bf16
    %div3A_307 = vector.broadcast %div3A_306 : bf16 to vector<256x16x256xbf16>
    %div3A_308 = arith.divf %div3A_307, %add3A_305 : vector<256x16x256xbf16>
    %mul3A_309 = arith.mulf %add3A_298, %div3A_308 : vector<256x16x256xbf16>
    %convert_element_type3A_310 = arith.extf %mul3A_309 : vector<256x16x256xbf16> to vector<256x16x256xf32>
    %slice3A_311 = vector.extract_strided_slice %convert_element_type3A_273 {offsets = [0, 0], sizes = [256, 256], strides = [1, 1]} : vector<256x2048xf32> to vector<256x256xf32>
    %broadcast_in_dim3A_312 = vector.shape_cast %slice3A_311 : vector<256x256xf32> to vector<256x1x256xf32>
    %mul3A_313 = vector.broadcast %broadcast_in_dim3A_312 : vector<256x1x256xf32> to vector<256x16x256xf32>
    %mul3A_314 = arith.mulf %convert_element_type3A_310, %mul3A_313 : vector<256x16x256xf32>
    %reduce_sum3A_315 = arith.constant dense<0.000000e+00> : vector<16x256xf32>
    %reduce_sum3A_316 = vector.multi_reduction <add>, %mul3A_314, %reduce_sum3A_315 [0] : vector<256x16x256xf32> to vector<16x256xf32>
    %transpose3A_317 = tpu.transpose %reduce_sum3A_316, [1, 0] : vector<16x256xf32> -> vector<256x16xf32>
    %slice3A_318 = vector.extract_strided_slice %convert_element_type3A_289 {offsets = [256, 0], sizes = [256, 16], strides = [1, 1]} : vector<2048x16xbf16> to vector<256x16xbf16>
    %transpose3A_319 = tpu.transpose %slice3A_318, [1, 0] : vector<256x16xbf16> -> vector<16x256xbf16>
    %slice3A_320 = vector.extract_strided_slice %convert_element_type3A_290 {offsets = [256, 0], sizes = [256, 16], strides = [1, 1]} : vector<2048x16xbf16> to vector<256x16xbf16>
    %broadcast_in_dim3A_321 = vector.shape_cast %slice3A_320 : vector<256x16xbf16> to vector<256x16x1xbf16>
    %broadcast_in_dim3A_322 = vector.shape_cast %transpose3A_319 : vector<16x256xbf16> to vector<1x16x256xbf16>
    %add3A_323 = vector.broadcast %broadcast_in_dim3A_321 : vector<256x16x1xbf16> to vector<256x16x256xbf16>
    %add3A_324 = vector.broadcast %broadcast_in_dim3A_322 : vector<1x16x256xbf16> to vector<256x16x256xbf16>
    %add3A_325 = arith.addf %add3A_323, %add3A_324 : vector<256x16x256xbf16>
    %neg3A_326 = arith.constant 0.000000e+00 : bf16
    %neg3A_327 = vector.broadcast %neg3A_326 : bf16 to vector<256x16x256xbf16>
    %neg3A_328 = arith.subf %neg3A_327, %add3A_325 : vector<256x16x256xbf16>
    %exp3A_329 = math.exp %neg3A_328 : vector<256x16x256xbf16>
    %add3A_330 = arith.constant 1.000000e+00 : bf16
    %add3A_331 = vector.broadcast %add3A_330 : bf16 to vector<256x16x256xbf16>
    %add3A_332 = arith.addf %add3A_331, %exp3A_329 : vector<256x16x256xbf16>
    %div3A_333 = arith.constant 1.000000e+00 : bf16
    %div3A_334 = vector.broadcast %div3A_333 : bf16 to vector<256x16x256xbf16>
    %div3A_335 = arith.divf %div3A_334, %add3A_332 : vector<256x16x256xbf16>
    %mul3A_336 = arith.mulf %add3A_325, %div3A_335 : vector<256x16x256xbf16>
    %convert_element_type3A_337 = arith.extf %mul3A_336 : vector<256x16x256xbf16> to vector<256x16x256xf32>
    %slice3A_338 = vector.extract_strided_slice %convert_element_type3A_273 {offsets = [0, 256], sizes = [256, 256], strides = [1, 1]} : vector<256x2048xf32> to vector<256x256xf32>
    %broadcast_in_dim3A_339 = vector.shape_cast %slice3A_338 : vector<256x256xf32> to vector<256x1x256xf32>
    %mul3A_340 = vector.broadcast %broadcast_in_dim3A_339 : vector<256x1x256xf32> to vector<256x16x256xf32>
    %mul3A_341 = arith.mulf %convert_element_type3A_337, %mul3A_340 : vector<256x16x256xf32>
    %reduce_sum3A_342 = arith.constant dense<0.000000e+00> : vector<16x256xf32>
    %reduce_sum3A_343 = vector.multi_reduction <add>, %mul3A_341, %reduce_sum3A_342 [0] : vector<256x16x256xf32> to vector<16x256xf32>
    %transpose3A_344 = tpu.transpose %reduce_sum3A_343, [1, 0] : vector<16x256xf32> -> vector<256x16xf32>
    %slice3A_345 = vector.extract_strided_slice %convert_element_type3A_289 {offsets = [512, 0], sizes = [256, 16], strides = [1, 1]} : vector<2048x16xbf16> to vector<256x16xbf16>
    %transpose3A_346 = tpu.transpose %slice3A_345, [1, 0] : vector<256x16xbf16> -> vector<16x256xbf16>
    %slice3A_347 = vector.extract_strided_slice %convert_element_type3A_290 {offsets = [512, 0], sizes = [256, 16], strides = [1, 1]} : vector<2048x16xbf16> to vector<256x16xbf16>
    %broadcast_in_dim3A_348 = vector.shape_cast %slice3A_347 : vector<256x16xbf16> to vector<256x16x1xbf16>
    %broadcast_in_dim3A_349 = vector.shape_cast %transpose3A_346 : vector<16x256xbf16> to vector<1x16x256xbf16>
    %add3A_350 = vector.broadcast %broadcast_in_dim3A_348 : vector<256x16x1xbf16> to vector<256x16x256xbf16>
    %add3A_351 = vector.broadcast %broadcast_in_dim3A_349 : vector<1x16x256xbf16> to vector<256x16x256xbf16>
    %add3A_352 = arith.addf %add3A_350, %add3A_351 : vector<256x16x256xbf16>
    %neg3A_353 = arith.constant 0.000000e+00 : bf16
    %neg3A_354 = vector.broadcast %neg3A_353 : bf16 to vector<256x16x256xbf16>
    %neg3A_355 = arith.subf %neg3A_354, %add3A_352 : vector<256x16x256xbf16>
    %exp3A_356 = math.exp %neg3A_355 : vector<256x16x256xbf16>
    %add3A_357 = arith.constant 1.000000e+00 : bf16
    %add3A_358 = vector.broadcast %add3A_357 : bf16 to vector<256x16x256xbf16>
    %add3A_359 = arith.addf %add3A_358, %exp3A_356 : vector<256x16x256xbf16>
    %div3A_360 = arith.constant 1.000000e+00 : bf16
    %div3A_361 = vector.broadcast %div3A_360 : bf16 to vector<256x16x256xbf16>
    %div3A_362 = arith.divf %div3A_361, %add3A_359 : vector<256x16x256xbf16>
    %mul3A_363 = arith.mulf %add3A_352, %div3A_362 : vector<256x16x256xbf16>
    %convert_element_type3A_364 = arith.extf %mul3A_363 : vector<256x16x256xbf16> to vector<256x16x256xf32>
    %slice3A_365 = vector.extract_strided_slice %convert_element_type3A_273 {offsets = [0, 512], sizes = [256, 256], strides = [1, 1]} : vector<256x2048xf32> to vector<256x256xf32>
    %broadcast_in_dim3A_366 = vector.shape_cast %slice3A_365 : vector<256x256xf32> to vector<256x1x256xf32>
    %mul3A_367 = vector.broadcast %broadcast_in_dim3A_366 : vector<256x1x256xf32> to vector<256x16x256xf32>
    %mul3A_368 = arith.mulf %convert_element_type3A_364, %mul3A_367 : vector<256x16x256xf32>
    %reduce_sum3A_369 = arith.constant dense<0.000000e+00> : vector<16x256xf32>
    %reduce_sum3A_370 = vector.multi_reduction <add>, %mul3A_368, %reduce_sum3A_369 [0] : vector<256x16x256xf32> to vector<16x256xf32>
    %transpose3A_371 = tpu.transpose %reduce_sum3A_370, [1, 0] : vector<16x256xf32> -> vector<256x16xf32>
    %slice3A_372 = vector.extract_strided_slice %convert_element_type3A_289 {offsets = [768, 0], sizes = [256, 16], strides = [1, 1]} : vector<2048x16xbf16> to vector<256x16xbf16>
    %transpose3A_373 = tpu.transpose %slice3A_372, [1, 0] : vector<256x16xbf16> -> vector<16x256xbf16>
    %slice3A_374 = vector.extract_strided_slice %convert_element_type3A_290 {offsets = [768, 0], sizes = [256, 16], strides = [1, 1]} : vector<2048x16xbf16> to vector<256x16xbf16>
    %broadcast_in_dim3A_375 = vector.shape_cast %slice3A_374 : vector<256x16xbf16> to vector<256x16x1xbf16>
    %broadcast_in_dim3A_376 = vector.shape_cast %transpose3A_373 : vector<16x256xbf16> to vector<1x16x256xbf16>
    %add3A_377 = vector.broadcast %broadcast_in_dim3A_375 : vector<256x16x1xbf16> to vector<256x16x256xbf16>
    %add3A_378 = vector.broadcast %broadcast_in_dim3A_376 : vector<1x16x256xbf16> to vector<256x16x256xbf16>
    %add3A_379 = arith.addf %add3A_377, %add3A_378 : vector<256x16x256xbf16>
    %neg3A_380 = arith.constant 0.000000e+00 : bf16
    %neg3A_381 = vector.broadcast %neg3A_380 : bf16 to vector<256x16x256xbf16>
    %neg3A_382 = arith.subf %neg3A_381, %add3A_379 : vector<256x16x256xbf16>
    %exp3A_383 = math.exp %neg3A_382 : vector<256x16x256xbf16>
    %add3A_384 = arith.constant 1.000000e+00 : bf16
    %add3A_385 = vector.broadcast %add3A_384 : bf16 to vector<256x16x256xbf16>
    %add3A_386 = arith.addf %add3A_385, %exp3A_383 : vector<256x16x256xbf16>
    %div3A_387 = arith.constant 1.000000e+00 : bf16
    %div3A_388 = vector.broadcast %div3A_387 : bf16 to vector<256x16x256xbf16>
    %div3A_389 = arith.divf %div3A_388, %add3A_386 : vector<256x16x256xbf16>
    %mul3A_390 = arith.mulf %add3A_379, %div3A_389 : vector<256x16x256xbf16>
    %convert_element_type3A_391 = arith.extf %mul3A_390 : vector<256x16x256xbf16> to vector<256x16x256xf32>
    %slice3A_392 = vector.extract_strided_slice %convert_element_type3A_273 {offsets = [0, 768], sizes = [256, 256], strides = [1, 1]} : vector<256x2048xf32> to vector<256x256xf32>
    %broadcast_in_dim3A_393 = vector.shape_cast %slice3A_392 : vector<256x256xf32> to vector<256x1x256xf32>
    %mul3A_394 = vector.broadcast %broadcast_in_dim3A_393 : vector<256x1x256xf32> to vector<256x16x256xf32>
    %mul3A_395 = arith.mulf %convert_element_type3A_391, %mul3A_394 : vector<256x16x256xf32>
    %reduce_sum3A_396 = arith.constant dense<0.000000e+00> : vector<16x256xf32>
    %reduce_sum3A_397 = vector.multi_reduction <add>, %mul3A_395, %reduce_sum3A_396 [0] : vector<256x16x256xf32> to vector<16x256xf32>
    %transpose3A_398 = tpu.transpose %reduce_sum3A_397, [1, 0] : vector<16x256xf32> -> vector<256x16xf32>
    %slice3A_399 = vector.extract_strided_slice %convert_element_type3A_289 {offsets = [1024, 0], sizes = [256, 16], strides = [1, 1]} : vector<2048x16xbf16> to vector<256x16xbf16>
    %transpose3A_400 = tpu.transpose %slice3A_399, [1, 0] : vector<256x16xbf16> -> vector<16x256xbf16>
    %slice3A_401 = vector.extract_strided_slice %convert_element_type3A_290 {offsets = [1024, 0], sizes = [256, 16], strides = [1, 1]} : vector<2048x16xbf16> to vector<256x16xbf16>
    %broadcast_in_dim3A_402 = vector.shape_cast %slice3A_401 : vector<256x16xbf16> to vector<256x16x1xbf16>
    %broadcast_in_dim3A_403 = vector.shape_cast %transpose3A_400 : vector<16x256xbf16> to vector<1x16x256xbf16>
    %add3A_404 = vector.broadcast %broadcast_in_dim3A_402 : vector<256x16x1xbf16> to vector<256x16x256xbf16>
    %add3A_405 = vector.broadcast %broadcast_in_dim3A_403 : vector<1x16x256xbf16> to vector<256x16x256xbf16>
    %add3A_406 = arith.addf %add3A_404, %add3A_405 : vector<256x16x256xbf16>
    %neg3A_407 = arith.constant 0.000000e+00 : bf16
    %neg3A_408 = vector.broadcast %neg3A_407 : bf16 to vector<256x16x256xbf16>
    %neg3A_409 = arith.subf %neg3A_408, %add3A_406 : vector<256x16x256xbf16>
    %exp3A_410 = math.exp %neg3A_409 : vector<256x16x256xbf16>
    %add3A_411 = arith.constant 1.000000e+00 : bf16
    %add3A_412 = vector.broadcast %add3A_411 : bf16 to vector<256x16x256xbf16>
    %add3A_413 = arith.addf %add3A_412, %exp3A_410 : vector<256x16x256xbf16>
    %div3A_414 = arith.constant 1.000000e+00 : bf16
    %div3A_415 = vector.broadcast %div3A_414 : bf16 to vector<256x16x256xbf16>
    %div3A_416 = arith.divf %div3A_415, %add3A_413 : vector<256x16x256xbf16>
    %mul3A_417 = arith.mulf %add3A_406, %div3A_416 : vector<256x16x256xbf16>
    %convert_element_type3A_418 = arith.extf %mul3A_417 : vector<256x16x256xbf16> to vector<256x16x256xf32>
    %slice3A_419 = vector.extract_strided_slice %convert_element_type3A_273 {offsets = [0, 1024], sizes = [256, 256], strides = [1, 1]} : vector<256x2048xf32> to vector<256x256xf32>
    %broadcast_in_dim3A_420 = vector.shape_cast %slice3A_419 : vector<256x256xf32> to vector<256x1x256xf32>
    %mul3A_421 = vector.broadcast %broadcast_in_dim3A_420 : vector<256x1x256xf32> to vector<256x16x256xf32>
    %mul3A_422 = arith.mulf %convert_element_type3A_418, %mul3A_421 : vector<256x16x256xf32>
    %reduce_sum3A_423 = arith.constant dense<0.000000e+00> : vector<16x256xf32>
    %reduce_sum3A_424 = vector.multi_reduction <add>, %mul3A_422, %reduce_sum3A_423 [0] : vector<256x16x256xf32> to vector<16x256xf32>
    %transpose3A_425 = tpu.transpose %reduce_sum3A_424, [1, 0] : vector<16x256xf32> -> vector<256x16xf32>
    %slice3A_426 = vector.extract_strided_slice %convert_element_type3A_289 {offsets = [1280, 0], sizes = [256, 16], strides = [1, 1]} : vector<2048x16xbf16> to vector<256x16xbf16>
    %transpose3A_427 = tpu.transpose %slice3A_426, [1, 0] : vector<256x16xbf16> -> vector<16x256xbf16>
    %slice3A_428 = vector.extract_strided_slice %convert_element_type3A_290 {offsets = [1280, 0], sizes = [256, 16], strides = [1, 1]} : vector<2048x16xbf16> to vector<256x16xbf16>
    %broadcast_in_dim3A_429 = vector.shape_cast %slice3A_428 : vector<256x16xbf16> to vector<256x16x1xbf16>
    %broadcast_in_dim3A_430 = vector.shape_cast %transpose3A_427 : vector<16x256xbf16> to vector<1x16x256xbf16>
    %add3A_431 = vector.broadcast %broadcast_in_dim3A_429 : vector<256x16x1xbf16> to vector<256x16x256xbf16>
    %add3A_432 = vector.broadcast %broadcast_in_dim3A_430 : vector<1x16x256xbf16> to vector<256x16x256xbf16>
    %add3A_433 = arith.addf %add3A_431, %add3A_432 : vector<256x16x256xbf16>
    %neg3A_434 = arith.constant 0.000000e+00 : bf16
    %neg3A_435 = vector.broadcast %neg3A_434 : bf16 to vector<256x16x256xbf16>
    %neg3A_436 = arith.subf %neg3A_435, %add3A_433 : vector<256x16x256xbf16>
    %exp3A_437 = math.exp %neg3A_436 : vector<256x16x256xbf16>
    %add3A_438 = arith.constant 1.000000e+00 : bf16
    %add3A_439 = vector.broadcast %add3A_438 : bf16 to vector<256x16x256xbf16>
    %add3A_440 = arith.addf %add3A_439, %exp3A_437 : vector<256x16x256xbf16>
    %div3A_441 = arith.constant 1.000000e+00 : bf16
    %div3A_442 = vector.broadcast %div3A_441 : bf16 to vector<256x16x256xbf16>
    %div3A_443 = arith.divf %div3A_442, %add3A_440 : vector<256x16x256xbf16>
    %mul3A_444 = arith.mulf %add3A_433, %div3A_443 : vector<256x16x256xbf16>
    %convert_element_type3A_445 = arith.extf %mul3A_444 : vector<256x16x256xbf16> to vector<256x16x256xf32>
    %slice3A_446 = vector.extract_strided_slice %convert_element_type3A_273 {offsets = [0, 1280], sizes = [256, 256], strides = [1, 1]} : vector<256x2048xf32> to vector<256x256xf32>
    %broadcast_in_dim3A_447 = vector.shape_cast %slice3A_446 : vector<256x256xf32> to vector<256x1x256xf32>
    %mul3A_448 = vector.broadcast %broadcast_in_dim3A_447 : vector<256x1x256xf32> to vector<256x16x256xf32>
    %mul3A_449 = arith.mulf %convert_element_type3A_445, %mul3A_448 : vector<256x16x256xf32>
    %reduce_sum3A_450 = arith.constant dense<0.000000e+00> : vector<16x256xf32>
    %reduce_sum3A_451 = vector.multi_reduction <add>, %mul3A_449, %reduce_sum3A_450 [0] : vector<256x16x256xf32> to vector<16x256xf32>
    %transpose3A_452 = tpu.transpose %reduce_sum3A_451, [1, 0] : vector<16x256xf32> -> vector<256x16xf32>
    %slice3A_453 = vector.extract_strided_slice %convert_element_type3A_289 {offsets = [1536, 0], sizes = [256, 16], strides = [1, 1]} : vector<2048x16xbf16> to vector<256x16xbf16>
    %transpose3A_454 = tpu.transpose %slice3A_453, [1, 0] : vector<256x16xbf16> -> vector<16x256xbf16>
    %slice3A_455 = vector.extract_strided_slice %convert_element_type3A_290 {offsets = [1536, 0], sizes = [256, 16], strides = [1, 1]} : vector<2048x16xbf16> to vector<256x16xbf16>
    %broadcast_in_dim3A_456 = vector.shape_cast %slice3A_455 : vector<256x16xbf16> to vector<256x16x1xbf16>
    %broadcast_in_dim3A_457 = vector.shape_cast %transpose3A_454 : vector<16x256xbf16> to vector<1x16x256xbf16>
    %add3A_458 = vector.broadcast %broadcast_in_dim3A_456 : vector<256x16x1xbf16> to vector<256x16x256xbf16>
    %add3A_459 = vector.broadcast %broadcast_in_dim3A_457 : vector<1x16x256xbf16> to vector<256x16x256xbf16>
    %add3A_460 = arith.addf %add3A_458, %add3A_459 : vector<256x16x256xbf16>
    %neg3A_461 = arith.constant 0.000000e+00 : bf16
    %neg3A_462 = vector.broadcast %neg3A_461 : bf16 to vector<256x16x256xbf16>
    %neg3A_463 = arith.subf %neg3A_462, %add3A_460 : vector<256x16x256xbf16>
    %exp3A_464 = math.exp %neg3A_463 : vector<256x16x256xbf16>
    %add3A_465 = arith.constant 1.000000e+00 : bf16
    %add3A_466 = vector.broadcast %add3A_465 : bf16 to vector<256x16x256xbf16>
    %add3A_467 = arith.addf %add3A_466, %exp3A_464 : vector<256x16x256xbf16>
    %div3A_468 = arith.constant 1.000000e+00 : bf16
    %div3A_469 = vector.broadcast %div3A_468 : bf16 to vector<256x16x256xbf16>
    %div3A_470 = arith.divf %div3A_469, %add3A_467 : vector<256x16x256xbf16>
    %mul3A_471 = arith.mulf %add3A_460, %div3A_470 : vector<256x16x256xbf16>
    %convert_element_type3A_472 = arith.extf %mul3A_471 : vector<256x16x256xbf16> to vector<256x16x256xf32>
    %slice3A_473 = vector.extract_strided_slice %convert_element_type3A_273 {offsets = [0, 1536], sizes = [256, 256], strides = [1, 1]} : vector<256x2048xf32> to vector<256x256xf32>
    %broadcast_in_dim3A_474 = vector.shape_cast %slice3A_473 : vector<256x256xf32> to vector<256x1x256xf32>
    %mul3A_475 = vector.broadcast %broadcast_in_dim3A_474 : vector<256x1x256xf32> to vector<256x16x256xf32>
    %mul3A_476 = arith.mulf %convert_element_type3A_472, %mul3A_475 : vector<256x16x256xf32>
    %reduce_sum3A_477 = arith.constant dense<0.000000e+00> : vector<16x256xf32>
    %reduce_sum3A_478 = vector.multi_reduction <add>, %mul3A_476, %reduce_sum3A_477 [0] : vector<256x16x256xf32> to vector<16x256xf32>
    %transpose3A_479 = tpu.transpose %reduce_sum3A_478, [1, 0] : vector<16x256xf32> -> vector<256x16xf32>
    %slice3A_480 = vector.extract_strided_slice %convert_element_type3A_289 {offsets = [1792, 0], sizes = [256, 16], strides = [1, 1]} : vector<2048x16xbf16> to vector<256x16xbf16>
    %transpose3A_481 = tpu.transpose %slice3A_480, [1, 0] : vector<256x16xbf16> -> vector<16x256xbf16>
    %slice3A_482 = vector.extract_strided_slice %convert_element_type3A_290 {offsets = [1792, 0], sizes = [256, 16], strides = [1, 1]} : vector<2048x16xbf16> to vector<256x16xbf16>
    %broadcast_in_dim3A_483 = vector.shape_cast %slice3A_482 : vector<256x16xbf16> to vector<256x16x1xbf16>
    %broadcast_in_dim3A_484 = vector.shape_cast %transpose3A_481 : vector<16x256xbf16> to vector<1x16x256xbf16>
    %add3A_485 = vector.broadcast %broadcast_in_dim3A_483 : vector<256x16x1xbf16> to vector<256x16x256xbf16>
    %add3A_486 = vector.broadcast %broadcast_in_dim3A_484 : vector<1x16x256xbf16> to vector<256x16x256xbf16>
    %add3A_487 = arith.addf %add3A_485, %add3A_486 : vector<256x16x256xbf16>
    %neg3A_488 = arith.constant 0.000000e+00 : bf16
    %neg3A_489 = vector.broadcast %neg3A_488 : bf16 to vector<256x16x256xbf16>
    %neg3A_490 = arith.subf %neg3A_489, %add3A_487 : vector<256x16x256xbf16>
    %exp3A_491 = math.exp %neg3A_490 : vector<256x16x256xbf16>
    %add3A_492 = arith.constant 1.000000e+00 : bf16
    %add3A_493 = vector.broadcast %add3A_492 : bf16 to vector<256x16x256xbf16>
    %add3A_494 = arith.addf %add3A_493, %exp3A_491 : vector<256x16x256xbf16>
    %div3A_495 = arith.constant 1.000000e+00 : bf16
    %div3A_496 = vector.broadcast %div3A_495 : bf16 to vector<256x16x256xbf16>
    %div3A_497 = arith.divf %div3A_496, %add3A_494 : vector<256x16x256xbf16>
    %mul3A_498 = arith.mulf %add3A_487, %div3A_497 : vector<256x16x256xbf16>
    %convert_element_type3A_499 = arith.extf %mul3A_498 : vector<256x16x256xbf16> to vector<256x16x256xf32>
    %slice3A_500 = vector.extract_strided_slice %convert_element_type3A_273 {offsets = [0, 1792], sizes = [256, 256], strides = [1, 1]} : vector<256x2048xf32> to vector<256x256xf32>
    %broadcast_in_dim3A_501 = vector.shape_cast %slice3A_500 : vector<256x256xf32> to vector<256x1x256xf32>
    %mul3A_502 = vector.broadcast %broadcast_in_dim3A_501 : vector<256x1x256xf32> to vector<256x16x256xf32>
    %mul3A_503 = arith.mulf %convert_element_type3A_499, %mul3A_502 : vector<256x16x256xf32>
    %reduce_sum3A_504 = arith.constant dense<0.000000e+00> : vector<16x256xf32>
    %reduce_sum3A_505 = vector.multi_reduction <add>, %mul3A_503, %reduce_sum3A_504 [0] : vector<256x16x256xf32> to vector<16x256xf32>
    %transpose3A_506 = tpu.transpose %reduce_sum3A_505, [1, 0] : vector<16x256xf32> -> vector<256x16xf32>
    %concatenate3A_507 = tpu.concatenate %transpose3A_317, %transpose3A_344, %transpose3A_371, %transpose3A_398, %transpose3A_425, %transpose3A_452, %transpose3A_479, %transpose3A_506 in 0 : vector<256x16xf32>, vector<256x16xf32>, vector<256x16xf32>, vector<256x16xf32>, vector<256x16xf32>, vector<256x16xf32>, vector<256x16xf32>, vector<256x16xf32> -> vector<2048x16xf32>
    %mul3A_508 = arith.constant 1.562500e-02 : f32
    %mul3A_509 = vector.broadcast %mul3A_508 : f32 to vector<2048x16xf32>
    %mul3A_510 = arith.mulf %concatenate3A_507, %mul3A_509 : vector<2048x16xf32>
    %get3A_511 = arith.constant 0 : index
    %get3A_512 = arith.constant 0 : index
    %get3A_513 = vector.load %arg8[%get3A_511, %get3A_512] : memref<16x16xf32, #tpu.memory_space<vmem>>, vector<16x16xf32>
    %dot_general3A_514 = arith.constant dense<0.000000e+00> : vector<2048x16xf32>
    %dot_general3A_515 = tpu.matmul %mul3A_510, %get3A_513, %dot_general3A_514 {dimension_numbers = #tpu.dot_dimension_numbers<[1], [0], [0], [1], [0, 0, 1, 1], [], []>, precision = #tpu.contract_precision<fp32>, transpose_lhs_hint = false} : vector<2048x16xf32>, vector<16x16xf32>, vector<2048x16xf32> -> vector<2048x16xf32>
    %get3A_516 = arith.constant 0 : index
    %get3A_517 = arith.constant 0 : index
    %get3A_518 = vector.load %arg9[%get3A_516, %get3A_517] : memref<1x16xf32, #tpu.memory_space<vmem>>, vector<1x16xf32>
    %add3A_519 = vector.broadcast %get3A_518 : vector<1x16xf32> to vector<2048x16xf32>
    %add3A_520 = arith.addf %dot_general3A_515, %add3A_519 : vector<2048x16xf32>
    %swap3A = arith.constant 0 : index
    %swap3A_521 = arith.constant 0 : index
    %swap3A_522 = vector.load %arg10[%swap3A, %swap3A_521] : memref<2048x16xf32, #tpu.memory_space<vmem>>, vector<2048x16xf32>
    tpu.vector_store %arg10[%swap3A, %swap3A_521], %add3A_520 {strides = array<i32>} : memref<2048x16xf32, #tpu.memory_space<vmem>>, vector<2048x16xf32>,
    return
  }
  func.func @transform_0(%arg0: i32) -> (i32, i32) {
    %c0_i32 = arith.constant 0 : i32
    %c0_i32_0 = arith.constant 0 : i32
    return %arg0, %c0_i32 : i32, i32
  }
  func.func @transform_1(%arg0: i32) -> (i32, i32) {
    %c0_i32 = arith.constant 0 : i32
    %c0_i32_0 = arith.constant 0 : i32
    %c0_i32_1 = arith.constant 0 : i32
    return %c0_i32, %c0_i32_0 : i32, i32
  }
  func.func @transform_2(%arg0: i32) -> (i32, i32) {
    %c0_i32 = arith.constant 0 : i32
    %c0_i32_0 = arith.constant 0 : i32
    %c0_i32_1 = arith.constant 0 : i32
    return %c0_i32, %c0_i32_0 : i32, i32
  }
  func.func @transform_3(%arg0: i32) -> (i32, i32) {
    %c0_i32 = arith.constant 0 : i32
    %c0_i32_0 = arith.constant 0 : i32
    %c0_i32_1 = arith.constant 0 : i32
    return %c0_i32, %c0_i32_0 : i32, i32
  }
  func.func @transform_4(%arg0: i32) -> (i32, i32) {
    %c0_i32 = arith.constant 0 : i32
    %c0_i32_0 = arith.constant 0 : i32
    %c0_i32_1 = arith.constant 0 : i32
    return %c0_i32, %c0_i32_0 : i32, i32
  }
  func.func @transform_5(%arg0: i32) -> (i32, i32) {
    %c0_i32 = arith.constant 0 : i32
    %c0_i32_0 = arith.constant 0 : i32
    %c0_i32_1 = arith.constant 0 : i32
    return %c0_i32, %c0_i32_0 : i32, i32
  }
  func.func @transform_6(%arg0: i32) -> (i32, i32) {
    %c0_i32 = arith.constant 0 : i32
    %c0_i32_0 = arith.constant 0 : i32
    %c0_i32_1 = arith.constant 0 : i32
    return %c0_i32, %c0_i32_0 : i32, i32
  }
  func.func @transform_7(%arg0: i32) -> (i32, i32) {
    %c0_i32 = arith.constant 0 : i32
    %c0_i32_0 = arith.constant 0 : i32
    %c0_i32_1 = arith.constant 0 : i32
    return %c0_i32, %c0_i32_0 : i32, i32
  }
  func.func @transform_8(%arg0: i32) -> (i32, i32) {
    %c0_i32 = arith.constant 0 : i32
    %c0_i32_0 = arith.constant 0 : i32
    %c0_i32_1 = arith.constant 0 : i32
    return %c0_i32, %c0_i32_0 : i32, i32
  }
  func.func @transform_9(%arg0: i32) -> (i32, i32) {
    %c0_i32 = arith.constant 0 : i32
    %c0_i32_0 = arith.constant 0 : i32
    return %arg0, %c0_i32 : i32, i32
  }
}

module attributes {stable_mosaic.version = 14 : i64} {
  func.func @_vtx_body(%arg0: memref<512x4xf32, #tpu.memory_space<vmem>>, %arg1: memref<4x8xf32, #tpu.memory_space<vmem>>, %arg2: memref<1x8xf32, #tpu.memory_space<vmem>>, %arg3: memref<8x16xf32, #tpu.memory_space<vmem>>, %arg4: memref<1x16xf32, #tpu.memory_space<vmem>>, %arg5: memref<512x16xf32, #tpu.memory_space<vmem>>) attributes {dimension_semantics = [], scalar_prefetch = 0 : i64, scratch_operands = 0 : i64, tpu.core_type = #tpu.core_type<tc>} {
    %get3A = arith.constant 0 : index
    %get3A_0 = arith.constant 0 : index
    %get3A_1 = vector.load %arg0[%get3A, %get3A_0] : memref<512x4xf32, #tpu.memory_space<vmem>>, vector<512x4xf32>
    %get3A_2 = arith.constant 0 : index
    %get3A_3 = arith.constant 0 : index
    %get3A_4 = vector.load %arg1[%get3A_2, %get3A_3] : memref<4x8xf32, #tpu.memory_space<vmem>>, vector<4x8xf32>
    %dot_general3A = arith.constant dense<0.000000e+00> : vector<512x8xf32>
    %dot_general3A_5 = tpu.matmul %get3A_1, %get3A_4, %dot_general3A {dimension_numbers = #tpu.dot_dimension_numbers<[1], [0], [0], [1], [0, 0, 1, 1], [], []>, precision = #tpu.contract_precision<fp32>, transpose_lhs_hint = false} : vector<512x4xf32>, vector<4x8xf32>, vector<512x8xf32> -> vector<512x8xf32>
    %get3A_6 = arith.constant 0 : index
    %get3A_7 = arith.constant 0 : index
    %get3A_8 = vector.load %arg2[%get3A_6, %get3A_7] : memref<1x8xf32, #tpu.memory_space<vmem>>, vector<1x8xf32>
    %add3A = vector.broadcast %get3A_8 : vector<1x8xf32> to vector<512x8xf32>
    %add3A_9 = arith.addf %dot_general3A_5, %add3A : vector<512x8xf32>
    %neg3A = arith.constant 0.000000e+00 : f32
    %neg3A_10 = vector.broadcast %neg3A : f32 to vector<512x8xf32>
    %neg3A_11 = arith.subf %neg3A_10, %add3A_9 : vector<512x8xf32>
    %exp3A = math.exp %neg3A_11 : vector<512x8xf32>
    %add3A_12 = arith.constant 1.000000e+00 : f32
    %add3A_13 = vector.broadcast %add3A_12 : f32 to vector<512x8xf32>
    %add3A_14 = arith.addf %add3A_13, %exp3A : vector<512x8xf32>
    %div3A = arith.constant 1.000000e+00 : f32
    %div3A_15 = vector.broadcast %div3A : f32 to vector<512x8xf32>
    %div3A_16 = arith.divf %div3A_15, %add3A_14 : vector<512x8xf32>
    %mul3A = arith.mulf %add3A_9, %div3A_16 : vector<512x8xf32>
    %get3A_17 = arith.constant 0 : index
    %get3A_18 = arith.constant 0 : index
    %get3A_19 = vector.load %arg3[%get3A_17, %get3A_18] : memref<8x16xf32, #tpu.memory_space<vmem>>, vector<8x16xf32>
    %dot_general3A_20 = arith.constant dense<0.000000e+00> : vector<512x16xf32>
    %dot_general3A_21 = tpu.matmul %mul3A, %get3A_19, %dot_general3A_20 {dimension_numbers = #tpu.dot_dimension_numbers<[1], [0], [0], [1], [0, 0, 1, 1], [], []>, precision = #tpu.contract_precision<fp32>, transpose_lhs_hint = false} : vector<512x8xf32>, vector<8x16xf32>, vector<512x16xf32> -> vector<512x16xf32>
    %get3A_22 = arith.constant 0 : index
    %get3A_23 = arith.constant 0 : index
    %get3A_24 = vector.load %arg4[%get3A_22, %get3A_23] : memref<1x16xf32, #tpu.memory_space<vmem>>, vector<1x16xf32>
    %add3A_25 = vector.broadcast %get3A_24 : vector<1x16xf32> to vector<512x16xf32>
    %add3A_26 = arith.addf %dot_general3A_21, %add3A_25 : vector<512x16xf32>
    %swap3A = arith.constant 0 : index
    %swap3A_27 = arith.constant 0 : index
    %swap3A_28 = vector.load %arg5[%swap3A, %swap3A_27] : memref<512x16xf32, #tpu.memory_space<vmem>>, vector<512x16xf32>
    tpu.vector_store %arg5[%swap3A, %swap3A_27], %add3A_26 {strides = array<i32>} : memref<512x16xf32, #tpu.memory_space<vmem>>, vector<512x16xf32>,
    return
  }
}

module attributes {stable_mosaic.version = 14 : i64} {
  func.func @_conv2_body(%arg0: i32, %arg1: memref<2048x13xf32, #tpu.memory_space<vmem>>, %arg2: memref<2048x16xf32, #tpu.memory_space<vmem>>, %arg3: memref<2048x13xf32, #tpu.memory_space<vmem>>, %arg4: memref<2048x16xf32, #tpu.memory_space<vmem>>, %arg5: memref<58x16xf32, #tpu.memory_space<vmem>>, %arg6: memref<1x16xf32, #tpu.memory_space<vmem>>, %arg7: memref<16x16xf32, #tpu.memory_space<vmem>>, %arg8: memref<1x16xf32, #tpu.memory_space<vmem>>, %arg9: memref<16x32xf32, #tpu.memory_space<vmem>>, %arg10: memref<1x32xf32, #tpu.memory_space<vmem>>, %arg11: memref<32x4xf32, #tpu.memory_space<vmem>>, %arg12: memref<1x4xf32, #tpu.memory_space<vmem>>, %arg13: memref<4x1xf32, #tpu.memory_space<vmem>>, %arg14: memref<1x1xf32, #tpu.memory_space<vmem>>, %arg15: memref<2048x1xf32, #tpu.memory_space<vmem>>) attributes {dimension_semantics = [#tpu.dimension_semantics<arbitrary>], iteration_bounds = array<i64: 8>, scalar_prefetch = 0 : i64, scratch_operands = 0 : i64, tpu.core_type = #tpu.core_type<tc>, window_params = [{transform_indices = @transform_0, window_bounds = array<i64: 2048, 13>}, {transform_indices = @transform_1, window_bounds = array<i64: 2048, 16>}, {transform_indices = @transform_2, window_bounds = array<i64: 2048, 13>}, {transform_indices = @transform_3, window_bounds = array<i64: 2048, 16>}, {pipeline_mode = #tpu.pipeline_mode<synchronous>, transform_indices = @transform_4, window_bounds = array<i64: 58, 16>}, {pipeline_mode = #tpu.pipeline_mode<synchronous>, transform_indices = @transform_5, window_bounds = array<i64: 1, 16>}, {pipeline_mode = #tpu.pipeline_mode<synchronous>, transform_indices = @transform_6, window_bounds = array<i64: 16, 16>}, {pipeline_mode = #tpu.pipeline_mode<synchronous>, transform_indices = @transform_7, window_bounds = array<i64: 1, 16>}, {pipeline_mode = #tpu.pipeline_mode<synchronous>, transform_indices = @transform_8, window_bounds = array<i64: 16, 32>}, {pipeline_mode = #tpu.pipeline_mode<synchronous>, transform_indices = @transform_9, window_bounds = array<i64: 1, 32>}, {pipeline_mode = #tpu.pipeline_mode<synchronous>, transform_indices = @transform_10, window_bounds = array<i64: 32, 4>}, {pipeline_mode = #tpu.pipeline_mode<synchronous>, transform_indices = @transform_11, window_bounds = array<i64: 1, 4>}, {pipeline_mode = #tpu.pipeline_mode<synchronous>, transform_indices = @transform_12, window_bounds = array<i64: 4, 1>}, {pipeline_mode = #tpu.pipeline_mode<synchronous>, transform_indices = @transform_13, window_bounds = array<i64: 1, 1>}, {transform_indices = @transform_14, window_bounds = array<i64: 2048, 1>}]} {
    %get3A = arith.constant 0 : index
    %get3A_0 = arith.constant 0 : index
    %get3A_1 = vector.load %arg1[%get3A, %get3A_0] : memref<2048x13xf32, #tpu.memory_space<vmem>>, vector<2048x13xf32>
    %get3A_2 = arith.constant 0 : index
    %get3A_3 = arith.constant 0 : index
    %get3A_4 = vector.load %arg2[%get3A_2, %get3A_3] : memref<2048x16xf32, #tpu.memory_space<vmem>>, vector<2048x16xf32>
    %concatenate3A = tpu.concatenate %get3A_1, %get3A_4 in 1 : vector<2048x13xf32>, vector<2048x16xf32> -> vector<2048x29xf32>
    %get3A_5 = arith.constant 0 : index
    %get3A_6 = arith.constant 0 : index
    %get3A_7 = vector.load %arg3[%get3A_5, %get3A_6] : memref<2048x13xf32, #tpu.memory_space<vmem>>, vector<2048x13xf32>
    %get3A_8 = arith.constant 0 : index
    %get3A_9 = arith.constant 0 : index
    %get3A_10 = vector.load %arg4[%get3A_8, %get3A_9] : memref<2048x16xf32, #tpu.memory_space<vmem>>, vector<2048x16xf32>
    %concatenate3A_11 = tpu.concatenate %get3A_7, %get3A_10 in 1 : vector<2048x13xf32>, vector<2048x16xf32> -> vector<2048x29xf32>
    %slice3A = vector.extract_strided_slice %concatenate3A {offsets = [0, 0], sizes = [256, 29], strides = [1, 1]} : vector<2048x29xf32> to vector<256x29xf32>
    %slice3A_12 = vector.extract_strided_slice %concatenate3A_11 {offsets = [0, 0], sizes = [256, 29], strides = [1, 1]} : vector<2048x29xf32> to vector<256x29xf32>
    %mul3A = arith.mulf %slice3A, %slice3A : vector<256x29xf32>
    %reduce_sum3A = arith.constant dense<0.000000e+00> : vector<256xf32>
    %reduce_sum3A_13 = vector.multi_reduction <add>, %mul3A, %reduce_sum3A [1] : vector<256x29xf32> to vector<256xf32>
    %broadcast_in_dim3A = vector.shape_cast %reduce_sum3A_13 : vector<256xf32> to vector<256x1xf32>
    %mul3A_14 = arith.mulf %slice3A_12, %slice3A_12 : vector<256x29xf32>
    %reduce_sum3A_15 = arith.constant dense<0.000000e+00> : vector<256xf32>
    %reduce_sum3A_16 = vector.multi_reduction <add>, %mul3A_14, %reduce_sum3A_15 [1] : vector<256x29xf32> to vector<256xf32>
    %broadcast_in_dim3A_17 = vector.shape_cast %reduce_sum3A_16 : vector<256xf32> to vector<256x1xf32>
    %transpose3A = tpu.transpose %broadcast_in_dim3A, [1, 0] : vector<256x1xf32> -> vector<1x256xf32>
    %add3A = vector.broadcast %broadcast_in_dim3A_17 : vector<256x1xf32> to vector<256x256xf32>
    %add3A_18 = vector.broadcast %transpose3A : vector<1x256xf32> to vector<256x256xf32>
    %add3A_19 = arith.addf %add3A, %add3A_18 : vector<256x256xf32>
    %transpose3A_20 = tpu.transpose %slice3A, [1, 0] : vector<256x29xf32> -> vector<29x256xf32>
    %dot_general3A = arith.constant dense<0.000000e+00> : vector<256x256xf32>
    %dot_general3A_21 = tpu.matmul %slice3A_12, %transpose3A_20, %dot_general3A {dimension_numbers = #tpu.dot_dimension_numbers<[1], [0], [0], [1], [0, 0, 1, 1], [], []>, precision = #tpu.contract_precision<fp32>, transpose_lhs_hint = false} : vector<256x29xf32>, vector<29x256xf32>, vector<256x256xf32> -> vector<256x256xf32>
    %mul3A_22 = arith.constant 2.000000e+00 : f32
    %mul3A_23 = vector.broadcast %mul3A_22 : f32 to vector<256x256xf32>
    %mul3A_24 = arith.mulf %mul3A_23, %dot_general3A_21 : vector<256x256xf32>
    %sub3A = arith.subf %add3A_19, %mul3A_24 : vector<256x256xf32>
    %max3A = arith.constant 0.000000e+00 : f32
    %max3A_25 = vector.broadcast %max3A : f32 to vector<256x256xf32>
    %max3A_26 = arith.maximumf %sub3A, %max3A_25 : vector<256x256xf32>
    %bitcast_convert_type3A = tpu.bitcast %max3A_26 : vector<256x256xf32> -> vector<256x256xi32>
    %shift_right_arithmetic3A = arith.constant 10 : i32
    %shift_right_arithmetic3A_27 = vector.broadcast %shift_right_arithmetic3A : i32 to vector<256x256xi32>
    %shift_right_arithmetic3A_28 = arith.shrsi %bitcast_convert_type3A, %shift_right_arithmetic3A_27 : vector<256x256xi32>
    %slice3A_29 = vector.extract_strided_slice %concatenate3A {offsets = [256, 0], sizes = [256, 29], strides = [1, 1]} : vector<2048x29xf32> to vector<256x29xf32>
    %slice3A_30 = vector.extract_strided_slice %concatenate3A_11 {offsets = [256, 0], sizes = [256, 29], strides = [1, 1]} : vector<2048x29xf32> to vector<256x29xf32>
    %mul3A_31 = arith.mulf %slice3A_29, %slice3A_29 : vector<256x29xf32>
    %reduce_sum3A_32 = arith.constant dense<0.000000e+00> : vector<256xf32>
    %reduce_sum3A_33 = vector.multi_reduction <add>, %mul3A_31, %reduce_sum3A_32 [1] : vector<256x29xf32> to vector<256xf32>
    %broadcast_in_dim3A_34 = vector.shape_cast %reduce_sum3A_33 : vector<256xf32> to vector<256x1xf32>
    %mul3A_35 = arith.mulf %slice3A_30, %slice3A_30 : vector<256x29xf32>
    %reduce_sum3A_36 = arith.constant dense<0.000000e+00> : vector<256xf32>
    %reduce_sum3A_37 = vector.multi_reduction <add>, %mul3A_35, %reduce_sum3A_36 [1] : vector<256x29xf32> to vector<256xf32>
    %broadcast_in_dim3A_38 = vector.shape_cast %reduce_sum3A_37 : vector<256xf32> to vector<256x1xf32>
    %transpose3A_39 = tpu.transpose %broadcast_in_dim3A_34, [1, 0] : vector<256x1xf32> -> vector<1x256xf32>
    %add3A_40 = vector.broadcast %broadcast_in_dim3A_38 : vector<256x1xf32> to vector<256x256xf32>
    %add3A_41 = vector.broadcast %transpose3A_39 : vector<1x256xf32> to vector<256x256xf32>
    %add3A_42 = arith.addf %add3A_40, %add3A_41 : vector<256x256xf32>
    %transpose3A_43 = tpu.transpose %slice3A_29, [1, 0] : vector<256x29xf32> -> vector<29x256xf32>
    %dot_general3A_44 = arith.constant dense<0.000000e+00> : vector<256x256xf32>
    %dot_general3A_45 = tpu.matmul %slice3A_30, %transpose3A_43, %dot_general3A_44 {dimension_numbers = #tpu.dot_dimension_numbers<[1], [0], [0], [1], [0, 0, 1, 1], [], []>, precision = #tpu.contract_precision<fp32>, transpose_lhs_hint = false} : vector<256x29xf32>, vector<29x256xf32>, vector<256x256xf32> -> vector<256x256xf32>
    %mul3A_46 = arith.constant 2.000000e+00 : f32
    %mul3A_47 = vector.broadcast %mul3A_46 : f32 to vector<256x256xf32>
    %mul3A_48 = arith.mulf %mul3A_47, %dot_general3A_45 : vector<256x256xf32>
    %sub3A_49 = arith.subf %add3A_42, %mul3A_48 : vector<256x256xf32>
    %max3A_50 = arith.constant 0.000000e+00 : f32
    %max3A_51 = vector.broadcast %max3A_50 : f32 to vector<256x256xf32>
    %max3A_52 = arith.maximumf %sub3A_49, %max3A_51 : vector<256x256xf32>
    %bitcast_convert_type3A_53 = tpu.bitcast %max3A_52 : vector<256x256xf32> -> vector<256x256xi32>
    %shift_right_arithmetic3A_54 = arith.constant 10 : i32
    %shift_right_arithmetic3A_55 = vector.broadcast %shift_right_arithmetic3A_54 : i32 to vector<256x256xi32>
    %shift_right_arithmetic3A_56 = arith.shrsi %bitcast_convert_type3A_53, %shift_right_arithmetic3A_55 : vector<256x256xi32>
    %slice3A_57 = vector.extract_strided_slice %concatenate3A {offsets = [512, 0], sizes = [256, 29], strides = [1, 1]} : vector<2048x29xf32> to vector<256x29xf32>
    %slice3A_58 = vector.extract_strided_slice %concatenate3A_11 {offsets = [512, 0], sizes = [256, 29], strides = [1, 1]} : vector<2048x29xf32> to vector<256x29xf32>
    %mul3A_59 = arith.mulf %slice3A_57, %slice3A_57 : vector<256x29xf32>
    %reduce_sum3A_60 = arith.constant dense<0.000000e+00> : vector<256xf32>
    %reduce_sum3A_61 = vector.multi_reduction <add>, %mul3A_59, %reduce_sum3A_60 [1] : vector<256x29xf32> to vector<256xf32>
    %broadcast_in_dim3A_62 = vector.shape_cast %reduce_sum3A_61 : vector<256xf32> to vector<256x1xf32>
    %mul3A_63 = arith.mulf %slice3A_58, %slice3A_58 : vector<256x29xf32>
    %reduce_sum3A_64 = arith.constant dense<0.000000e+00> : vector<256xf32>
    %reduce_sum3A_65 = vector.multi_reduction <add>, %mul3A_63, %reduce_sum3A_64 [1] : vector<256x29xf32> to vector<256xf32>
    %broadcast_in_dim3A_66 = vector.shape_cast %reduce_sum3A_65 : vector<256xf32> to vector<256x1xf32>
    %transpose3A_67 = tpu.transpose %broadcast_in_dim3A_62, [1, 0] : vector<256x1xf32> -> vector<1x256xf32>
    %add3A_68 = vector.broadcast %broadcast_in_dim3A_66 : vector<256x1xf32> to vector<256x256xf32>
    %add3A_69 = vector.broadcast %transpose3A_67 : vector<1x256xf32> to vector<256x256xf32>
    %add3A_70 = arith.addf %add3A_68, %add3A_69 : vector<256x256xf32>
    %transpose3A_71 = tpu.transpose %slice3A_57, [1, 0] : vector<256x29xf32> -> vector<29x256xf32>
    %dot_general3A_72 = arith.constant dense<0.000000e+00> : vector<256x256xf32>
    %dot_general3A_73 = tpu.matmul %slice3A_58, %transpose3A_71, %dot_general3A_72 {dimension_numbers = #tpu.dot_dimension_numbers<[1], [0], [0], [1], [0, 0, 1, 1], [], []>, precision = #tpu.contract_precision<fp32>, transpose_lhs_hint = false} : vector<256x29xf32>, vector<29x256xf32>, vector<256x256xf32> -> vector<256x256xf32>
    %mul3A_74 = arith.constant 2.000000e+00 : f32
    %mul3A_75 = vector.broadcast %mul3A_74 : f32 to vector<256x256xf32>
    %mul3A_76 = arith.mulf %mul3A_75, %dot_general3A_73 : vector<256x256xf32>
    %sub3A_77 = arith.subf %add3A_70, %mul3A_76 : vector<256x256xf32>
    %max3A_78 = arith.constant 0.000000e+00 : f32
    %max3A_79 = vector.broadcast %max3A_78 : f32 to vector<256x256xf32>
    %max3A_80 = arith.maximumf %sub3A_77, %max3A_79 : vector<256x256xf32>
    %bitcast_convert_type3A_81 = tpu.bitcast %max3A_80 : vector<256x256xf32> -> vector<256x256xi32>
    %shift_right_arithmetic3A_82 = arith.constant 10 : i32
    %shift_right_arithmetic3A_83 = vector.broadcast %shift_right_arithmetic3A_82 : i32 to vector<256x256xi32>
    %shift_right_arithmetic3A_84 = arith.shrsi %bitcast_convert_type3A_81, %shift_right_arithmetic3A_83 : vector<256x256xi32>
    %slice3A_85 = vector.extract_strided_slice %concatenate3A {offsets = [768, 0], sizes = [256, 29], strides = [1, 1]} : vector<2048x29xf32> to vector<256x29xf32>
    %slice3A_86 = vector.extract_strided_slice %concatenate3A_11 {offsets = [768, 0], sizes = [256, 29], strides = [1, 1]} : vector<2048x29xf32> to vector<256x29xf32>
    %mul3A_87 = arith.mulf %slice3A_85, %slice3A_85 : vector<256x29xf32>
    %reduce_sum3A_88 = arith.constant dense<0.000000e+00> : vector<256xf32>
    %reduce_sum3A_89 = vector.multi_reduction <add>, %mul3A_87, %reduce_sum3A_88 [1] : vector<256x29xf32> to vector<256xf32>
    %broadcast_in_dim3A_90 = vector.shape_cast %reduce_sum3A_89 : vector<256xf32> to vector<256x1xf32>
    %mul3A_91 = arith.mulf %slice3A_86, %slice3A_86 : vector<256x29xf32>
    %reduce_sum3A_92 = arith.constant dense<0.000000e+00> : vector<256xf32>
    %reduce_sum3A_93 = vector.multi_reduction <add>, %mul3A_91, %reduce_sum3A_92 [1] : vector<256x29xf32> to vector<256xf32>
    %broadcast_in_dim3A_94 = vector.shape_cast %reduce_sum3A_93 : vector<256xf32> to vector<256x1xf32>
    %transpose3A_95 = tpu.transpose %broadcast_in_dim3A_90, [1, 0] : vector<256x1xf32> -> vector<1x256xf32>
    %add3A_96 = vector.broadcast %broadcast_in_dim3A_94 : vector<256x1xf32> to vector<256x256xf32>
    %add3A_97 = vector.broadcast %transpose3A_95 : vector<1x256xf32> to vector<256x256xf32>
    %add3A_98 = arith.addf %add3A_96, %add3A_97 : vector<256x256xf32>
    %transpose3A_99 = tpu.transpose %slice3A_85, [1, 0] : vector<256x29xf32> -> vector<29x256xf32>
    %dot_general3A_100 = arith.constant dense<0.000000e+00> : vector<256x256xf32>
    %dot_general3A_101 = tpu.matmul %slice3A_86, %transpose3A_99, %dot_general3A_100 {dimension_numbers = #tpu.dot_dimension_numbers<[1], [0], [0], [1], [0, 0, 1, 1], [], []>, precision = #tpu.contract_precision<fp32>, transpose_lhs_hint = false} : vector<256x29xf32>, vector<29x256xf32>, vector<256x256xf32> -> vector<256x256xf32>
    %mul3A_102 = arith.constant 2.000000e+00 : f32
    %mul3A_103 = vector.broadcast %mul3A_102 : f32 to vector<256x256xf32>
    %mul3A_104 = arith.mulf %mul3A_103, %dot_general3A_101 : vector<256x256xf32>
    %sub3A_105 = arith.subf %add3A_98, %mul3A_104 : vector<256x256xf32>
    %max3A_106 = arith.constant 0.000000e+00 : f32
    %max3A_107 = vector.broadcast %max3A_106 : f32 to vector<256x256xf32>
    %max3A_108 = arith.maximumf %sub3A_105, %max3A_107 : vector<256x256xf32>
    %bitcast_convert_type3A_109 = tpu.bitcast %max3A_108 : vector<256x256xf32> -> vector<256x256xi32>
    %shift_right_arithmetic3A_110 = arith.constant 10 : i32
    %shift_right_arithmetic3A_111 = vector.broadcast %shift_right_arithmetic3A_110 : i32 to vector<256x256xi32>
    %shift_right_arithmetic3A_112 = arith.shrsi %bitcast_convert_type3A_109, %shift_right_arithmetic3A_111 : vector<256x256xi32>
    %slice3A_113 = vector.extract_strided_slice %concatenate3A {offsets = [1024, 0], sizes = [256, 29], strides = [1, 1]} : vector<2048x29xf32> to vector<256x29xf32>
    %slice3A_114 = vector.extract_strided_slice %concatenate3A_11 {offsets = [1024, 0], sizes = [256, 29], strides = [1, 1]} : vector<2048x29xf32> to vector<256x29xf32>
    %mul3A_115 = arith.mulf %slice3A_113, %slice3A_113 : vector<256x29xf32>
    %reduce_sum3A_116 = arith.constant dense<0.000000e+00> : vector<256xf32>
    %reduce_sum3A_117 = vector.multi_reduction <add>, %mul3A_115, %reduce_sum3A_116 [1] : vector<256x29xf32> to vector<256xf32>
    %broadcast_in_dim3A_118 = vector.shape_cast %reduce_sum3A_117 : vector<256xf32> to vector<256x1xf32>
    %mul3A_119 = arith.mulf %slice3A_114, %slice3A_114 : vector<256x29xf32>
    %reduce_sum3A_120 = arith.constant dense<0.000000e+00> : vector<256xf32>
    %reduce_sum3A_121 = vector.multi_reduction <add>, %mul3A_119, %reduce_sum3A_120 [1] : vector<256x29xf32> to vector<256xf32>
    %broadcast_in_dim3A_122 = vector.shape_cast %reduce_sum3A_121 : vector<256xf32> to vector<256x1xf32>
    %transpose3A_123 = tpu.transpose %broadcast_in_dim3A_118, [1, 0] : vector<256x1xf32> -> vector<1x256xf32>
    %add3A_124 = vector.broadcast %broadcast_in_dim3A_122 : vector<256x1xf32> to vector<256x256xf32>
    %add3A_125 = vector.broadcast %transpose3A_123 : vector<1x256xf32> to vector<256x256xf32>
    %add3A_126 = arith.addf %add3A_124, %add3A_125 : vector<256x256xf32>
    %transpose3A_127 = tpu.transpose %slice3A_113, [1, 0] : vector<256x29xf32> -> vector<29x256xf32>
    %dot_general3A_128 = arith.constant dense<0.000000e+00> : vector<256x256xf32>
    %dot_general3A_129 = tpu.matmul %slice3A_114, %transpose3A_127, %dot_general3A_128 {dimension_numbers = #tpu.dot_dimension_numbers<[1], [0], [0], [1], [0, 0, 1, 1], [], []>, precision = #tpu.contract_precision<fp32>, transpose_lhs_hint = false} : vector<256x29xf32>, vector<29x256xf32>, vector<256x256xf32> -> vector<256x256xf32>
    %mul3A_130 = arith.constant 2.000000e+00 : f32
    %mul3A_131 = vector.broadcast %mul3A_130 : f32 to vector<256x256xf32>
    %mul3A_132 = arith.mulf %mul3A_131, %dot_general3A_129 : vector<256x256xf32>
    %sub3A_133 = arith.subf %add3A_126, %mul3A_132 : vector<256x256xf32>
    %max3A_134 = arith.constant 0.000000e+00 : f32
    %max3A_135 = vector.broadcast %max3A_134 : f32 to vector<256x256xf32>
    %max3A_136 = arith.maximumf %sub3A_133, %max3A_135 : vector<256x256xf32>
    %bitcast_convert_type3A_137 = tpu.bitcast %max3A_136 : vector<256x256xf32> -> vector<256x256xi32>
    %shift_right_arithmetic3A_138 = arith.constant 10 : i32
    %shift_right_arithmetic3A_139 = vector.broadcast %shift_right_arithmetic3A_138 : i32 to vector<256x256xi32>
    %shift_right_arithmetic3A_140 = arith.shrsi %bitcast_convert_type3A_137, %shift_right_arithmetic3A_139 : vector<256x256xi32>
    %slice3A_141 = vector.extract_strided_slice %concatenate3A {offsets = [1280, 0], sizes = [256, 29], strides = [1, 1]} : vector<2048x29xf32> to vector<256x29xf32>
    %slice3A_142 = vector.extract_strided_slice %concatenate3A_11 {offsets = [1280, 0], sizes = [256, 29], strides = [1, 1]} : vector<2048x29xf32> to vector<256x29xf32>
    %mul3A_143 = arith.mulf %slice3A_141, %slice3A_141 : vector<256x29xf32>
    %reduce_sum3A_144 = arith.constant dense<0.000000e+00> : vector<256xf32>
    %reduce_sum3A_145 = vector.multi_reduction <add>, %mul3A_143, %reduce_sum3A_144 [1] : vector<256x29xf32> to vector<256xf32>
    %broadcast_in_dim3A_146 = vector.shape_cast %reduce_sum3A_145 : vector<256xf32> to vector<256x1xf32>
    %mul3A_147 = arith.mulf %slice3A_142, %slice3A_142 : vector<256x29xf32>
    %reduce_sum3A_148 = arith.constant dense<0.000000e+00> : vector<256xf32>
    %reduce_sum3A_149 = vector.multi_reduction <add>, %mul3A_147, %reduce_sum3A_148 [1] : vector<256x29xf32> to vector<256xf32>
    %broadcast_in_dim3A_150 = vector.shape_cast %reduce_sum3A_149 : vector<256xf32> to vector<256x1xf32>
    %transpose3A_151 = tpu.transpose %broadcast_in_dim3A_146, [1, 0] : vector<256x1xf32> -> vector<1x256xf32>
    %add3A_152 = vector.broadcast %broadcast_in_dim3A_150 : vector<256x1xf32> to vector<256x256xf32>
    %add3A_153 = vector.broadcast %transpose3A_151 : vector<1x256xf32> to vector<256x256xf32>
    %add3A_154 = arith.addf %add3A_152, %add3A_153 : vector<256x256xf32>
    %transpose3A_155 = tpu.transpose %slice3A_141, [1, 0] : vector<256x29xf32> -> vector<29x256xf32>
    %dot_general3A_156 = arith.constant dense<0.000000e+00> : vector<256x256xf32>
    %dot_general3A_157 = tpu.matmul %slice3A_142, %transpose3A_155, %dot_general3A_156 {dimension_numbers = #tpu.dot_dimension_numbers<[1], [0], [0], [1], [0, 0, 1, 1], [], []>, precision = #tpu.contract_precision<fp32>, transpose_lhs_hint = false} : vector<256x29xf32>, vector<29x256xf32>, vector<256x256xf32> -> vector<256x256xf32>
    %mul3A_158 = arith.constant 2.000000e+00 : f32
    %mul3A_159 = vector.broadcast %mul3A_158 : f32 to vector<256x256xf32>
    %mul3A_160 = arith.mulf %mul3A_159, %dot_general3A_157 : vector<256x256xf32>
    %sub3A_161 = arith.subf %add3A_154, %mul3A_160 : vector<256x256xf32>
    %max3A_162 = arith.constant 0.000000e+00 : f32
    %max3A_163 = vector.broadcast %max3A_162 : f32 to vector<256x256xf32>
    %max3A_164 = arith.maximumf %sub3A_161, %max3A_163 : vector<256x256xf32>
    %bitcast_convert_type3A_165 = tpu.bitcast %max3A_164 : vector<256x256xf32> -> vector<256x256xi32>
    %shift_right_arithmetic3A_166 = arith.constant 10 : i32
    %shift_right_arithmetic3A_167 = vector.broadcast %shift_right_arithmetic3A_166 : i32 to vector<256x256xi32>
    %shift_right_arithmetic3A_168 = arith.shrsi %bitcast_convert_type3A_165, %shift_right_arithmetic3A_167 : vector<256x256xi32>
    %slice3A_169 = vector.extract_strided_slice %concatenate3A {offsets = [1536, 0], sizes = [256, 29], strides = [1, 1]} : vector<2048x29xf32> to vector<256x29xf32>
    %slice3A_170 = vector.extract_strided_slice %concatenate3A_11 {offsets = [1536, 0], sizes = [256, 29], strides = [1, 1]} : vector<2048x29xf32> to vector<256x29xf32>
    %mul3A_171 = arith.mulf %slice3A_169, %slice3A_169 : vector<256x29xf32>
    %reduce_sum3A_172 = arith.constant dense<0.000000e+00> : vector<256xf32>
    %reduce_sum3A_173 = vector.multi_reduction <add>, %mul3A_171, %reduce_sum3A_172 [1] : vector<256x29xf32> to vector<256xf32>
    %broadcast_in_dim3A_174 = vector.shape_cast %reduce_sum3A_173 : vector<256xf32> to vector<256x1xf32>
    %mul3A_175 = arith.mulf %slice3A_170, %slice3A_170 : vector<256x29xf32>
    %reduce_sum3A_176 = arith.constant dense<0.000000e+00> : vector<256xf32>
    %reduce_sum3A_177 = vector.multi_reduction <add>, %mul3A_175, %reduce_sum3A_176 [1] : vector<256x29xf32> to vector<256xf32>
    %broadcast_in_dim3A_178 = vector.shape_cast %reduce_sum3A_177 : vector<256xf32> to vector<256x1xf32>
    %transpose3A_179 = tpu.transpose %broadcast_in_dim3A_174, [1, 0] : vector<256x1xf32> -> vector<1x256xf32>
    %add3A_180 = vector.broadcast %broadcast_in_dim3A_178 : vector<256x1xf32> to vector<256x256xf32>
    %add3A_181 = vector.broadcast %transpose3A_179 : vector<1x256xf32> to vector<256x256xf32>
    %add3A_182 = arith.addf %add3A_180, %add3A_181 : vector<256x256xf32>
    %transpose3A_183 = tpu.transpose %slice3A_169, [1, 0] : vector<256x29xf32> -> vector<29x256xf32>
    %dot_general3A_184 = arith.constant dense<0.000000e+00> : vector<256x256xf32>
    %dot_general3A_185 = tpu.matmul %slice3A_170, %transpose3A_183, %dot_general3A_184 {dimension_numbers = #tpu.dot_dimension_numbers<[1], [0], [0], [1], [0, 0, 1, 1], [], []>, precision = #tpu.contract_precision<fp32>, transpose_lhs_hint = false} : vector<256x29xf32>, vector<29x256xf32>, vector<256x256xf32> -> vector<256x256xf32>
    %mul3A_186 = arith.constant 2.000000e+00 : f32
    %mul3A_187 = vector.broadcast %mul3A_186 : f32 to vector<256x256xf32>
    %mul3A_188 = arith.mulf %mul3A_187, %dot_general3A_185 : vector<256x256xf32>
    %sub3A_189 = arith.subf %add3A_182, %mul3A_188 : vector<256x256xf32>
    %max3A_190 = arith.constant 0.000000e+00 : f32
    %max3A_191 = vector.broadcast %max3A_190 : f32 to vector<256x256xf32>
    %max3A_192 = arith.maximumf %sub3A_189, %max3A_191 : vector<256x256xf32>
    %bitcast_convert_type3A_193 = tpu.bitcast %max3A_192 : vector<256x256xf32> -> vector<256x256xi32>
    %shift_right_arithmetic3A_194 = arith.constant 10 : i32
    %shift_right_arithmetic3A_195 = vector.broadcast %shift_right_arithmetic3A_194 : i32 to vector<256x256xi32>
    %shift_right_arithmetic3A_196 = arith.shrsi %bitcast_convert_type3A_193, %shift_right_arithmetic3A_195 : vector<256x256xi32>
    %slice3A_197 = vector.extract_strided_slice %concatenate3A {offsets = [1792, 0], sizes = [256, 29], strides = [1, 1]} : vector<2048x29xf32> to vector<256x29xf32>
    %slice3A_198 = vector.extract_strided_slice %concatenate3A_11 {offsets = [1792, 0], sizes = [256, 29], strides = [1, 1]} : vector<2048x29xf32> to vector<256x29xf32>
    %mul3A_199 = arith.mulf %slice3A_197, %slice3A_197 : vector<256x29xf32>
    %reduce_sum3A_200 = arith.constant dense<0.000000e+00> : vector<256xf32>
    %reduce_sum3A_201 = vector.multi_reduction <add>, %mul3A_199, %reduce_sum3A_200 [1] : vector<256x29xf32> to vector<256xf32>
    %broadcast_in_dim3A_202 = vector.shape_cast %reduce_sum3A_201 : vector<256xf32> to vector<256x1xf32>
    %mul3A_203 = arith.mulf %slice3A_198, %slice3A_198 : vector<256x29xf32>
    %reduce_sum3A_204 = arith.constant dense<0.000000e+00> : vector<256xf32>
    %reduce_sum3A_205 = vector.multi_reduction <add>, %mul3A_203, %reduce_sum3A_204 [1] : vector<256x29xf32> to vector<256xf32>
    %broadcast_in_dim3A_206 = vector.shape_cast %reduce_sum3A_205 : vector<256xf32> to vector<256x1xf32>
    %transpose3A_207 = tpu.transpose %broadcast_in_dim3A_202, [1, 0] : vector<256x1xf32> -> vector<1x256xf32>
    %add3A_208 = vector.broadcast %broadcast_in_dim3A_206 : vector<256x1xf32> to vector<256x256xf32>
    %add3A_209 = vector.broadcast %transpose3A_207 : vector<1x256xf32> to vector<256x256xf32>
    %add3A_210 = arith.addf %add3A_208, %add3A_209 : vector<256x256xf32>
    %transpose3A_211 = tpu.transpose %slice3A_197, [1, 0] : vector<256x29xf32> -> vector<29x256xf32>
    %dot_general3A_212 = arith.constant dense<0.000000e+00> : vector<256x256xf32>
    %dot_general3A_213 = tpu.matmul %slice3A_198, %transpose3A_211, %dot_general3A_212 {dimension_numbers = #tpu.dot_dimension_numbers<[1], [0], [0], [1], [0, 0, 1, 1], [], []>, precision = #tpu.contract_precision<fp32>, transpose_lhs_hint = false} : vector<256x29xf32>, vector<29x256xf32>, vector<256x256xf32> -> vector<256x256xf32>
    %mul3A_214 = arith.constant 2.000000e+00 : f32
    %mul3A_215 = vector.broadcast %mul3A_214 : f32 to vector<256x256xf32>
    %mul3A_216 = arith.mulf %mul3A_215, %dot_general3A_213 : vector<256x256xf32>
    %sub3A_217 = arith.subf %add3A_210, %mul3A_216 : vector<256x256xf32>
    %max3A_218 = arith.constant 0.000000e+00 : f32
    %max3A_219 = vector.broadcast %max3A_218 : f32 to vector<256x256xf32>
    %max3A_220 = arith.maximumf %sub3A_217, %max3A_219 : vector<256x256xf32>
    %bitcast_convert_type3A_221 = tpu.bitcast %max3A_220 : vector<256x256xf32> -> vector<256x256xi32>
    %shift_right_arithmetic3A_222 = arith.constant 10 : i32
    %shift_right_arithmetic3A_223 = vector.broadcast %shift_right_arithmetic3A_222 : i32 to vector<256x256xi32>
    %shift_right_arithmetic3A_224 = arith.shrsi %bitcast_convert_type3A_221, %shift_right_arithmetic3A_223 : vector<256x256xi32>
    %concatenate3A_225 = tpu.concatenate %shift_right_arithmetic3A_28, %shift_right_arithmetic3A_56, %shift_right_arithmetic3A_84, %shift_right_arithmetic3A_112, %shift_right_arithmetic3A_140, %shift_right_arithmetic3A_168, %shift_right_arithmetic3A_196, %shift_right_arithmetic3A_224 in 1 : vector<256x256xi32>, vector<256x256xi32>, vector<256x256xi32>, vector<256x256xi32>, vector<256x256xi32>, vector<256x256xi32>, vector<256x256xi32>, vector<256x256xi32> -> vector<256x2048xi32>
    %reduce_max3A = arith.constant dense<-2147483648> : vector<2048xi32>
    %reduce_max3A_226 = vector.multi_reduction <maxsi>, %concatenate3A_225, %reduce_max3A [0] : vector<256x2048xi32> to vector<2048xi32>
    %broadcast_in_dim3A_227 = vector.shape_cast %reduce_max3A_226 : vector<2048xi32> to vector<1x2048xi32>
    %broadcast_in_dim3A_228 = arith.constant 0 : i32
    %broadcast_in_dim3A_229 = vector.broadcast %broadcast_in_dim3A_228 : i32 to vector<1x2048xi32>
    %scan3A = arith.constant 0 : i32
    %scan3A_230 = arith.constant 21 : i32
    %scan3A_231 = arith.addi %scan3A, %scan3A_230 : i32
    %scan3A_232 = arith.constant 1 : i32
    %scan3A_233:2 = scf.for %scan3A_555 = %scan3A to %scan3A_231 step %scan3A_232 iter_args(%scan3A_556 = %broadcast_in_dim3A_229, %scan3A_557 = %broadcast_in_dim3A_227) -> (vector<1x2048xi32>, vector<1x2048xi32>)  : i32 {
      %sub3A_558 = arith.subi %scan3A_557, %scan3A_556 : vector<1x2048xi32>
      %shift_right_arithmetic3A_559 = arith.constant 1 : i32
      %shift_right_arithmetic3A_560 = vector.broadcast %shift_right_arithmetic3A_559 : i32 to vector<1x2048xi32>
      %shift_right_arithmetic3A_561 = arith.shrsi %sub3A_558, %shift_right_arithmetic3A_560 : vector<1x2048xi32>
      %add3A_562 = arith.addi %scan3A_556, %shift_right_arithmetic3A_561 : vector<1x2048xi32>
      %le3A = vector.broadcast %add3A_562 : vector<1x2048xi32> to vector<256x2048xi32>
      %le3A_563 = arith.cmpi sle, %concatenate3A_225, %le3A : vector<256x2048xi32>
      %convert_element_type3A_564 = arith.extui %le3A_563 : vector<256x2048xi1> to vector<256x2048xi32>
      %reduce_sum3A_565 = arith.constant dense<0> : vector<2048xi32>
      %reduce_sum3A_566 = vector.multi_reduction <add>, %convert_element_type3A_564, %reduce_sum3A_565 [0] : vector<256x2048xi32> to vector<2048xi32>
      %broadcast_in_dim3A_567 = vector.shape_cast %reduce_sum3A_566 : vector<2048xi32> to vector<1x2048xi32>
      %ge3A = arith.constant 16 : i32
      %ge3A_568 = vector.broadcast %ge3A : i32 to vector<1x2048xi32>
      %ge3A_569 = arith.cmpi sge, %broadcast_in_dim3A_567, %ge3A_568 : vector<1x2048xi32>
      %add3A_570 = arith.constant 1 : i32
      %add3A_571 = vector.broadcast %add3A_570 : i32 to vector<1x2048xi32>
      %add3A_572 = arith.addi %add3A_562, %add3A_571 : vector<1x2048xi32>
      %select_n3A = arith.select %ge3A_569, %scan3A_556, %add3A_572 : vector<1x2048xi1>, vector<1x2048xi32>
      %select_n3A_573 = arith.select %ge3A_569, %add3A_562, %scan3A_557 : vector<1x2048xi1>, vector<1x2048xi32>
      scf.yield %select_n3A, %select_n3A_573 : vector<1x2048xi32>, vector<1x2048xi32>
    }
    %lt3A = vector.broadcast %scan3A_233#1 : vector<1x2048xi32> to vector<256x2048xi32>
    %lt3A_234 = arith.cmpi slt, %concatenate3A_225, %lt3A : vector<256x2048xi32>
    %eq3A = vector.broadcast %scan3A_233#1 : vector<1x2048xi32> to vector<256x2048xi32>
    %eq3A_235 = arith.cmpi eq, %concatenate3A_225, %eq3A : vector<256x2048xi32>
    %convert_element_type3A = arith.extui %lt3A_234 : vector<256x2048xi1> to vector<256x2048xi32>
    %reduce_sum3A_236 = arith.constant dense<0> : vector<2048xi32>
    %reduce_sum3A_237 = vector.multi_reduction <add>, %convert_element_type3A, %reduce_sum3A_236 [0] : vector<256x2048xi32> to vector<2048xi32>
    %broadcast_in_dim3A_238 = vector.shape_cast %reduce_sum3A_237 : vector<2048xi32> to vector<1x2048xi32>
    %sub3A_239 = arith.constant 16 : i32
    %sub3A_240 = vector.broadcast %sub3A_239 : i32 to vector<1x2048xi32>
    %sub3A_241 = arith.subi %sub3A_240, %broadcast_in_dim3A_238 : vector<1x2048xi32>
    %iota3A = tpu.iota {dimensions = array<i32: 0>} : vector<256x256xi32>
    %iota3A_242 = tpu.iota {dimensions = array<i32: 1>} : vector<256x256xi32>
    %lt3A_243 = arith.cmpi slt, %iota3A_242, %iota3A : vector<256x256xi32>
    %convert_element_type3A_244 = arith.extui %lt3A_243 : vector<256x256xi1> to vector<256x256xi32>
    %convert_element_type3A_245 = arith.sitofp %convert_element_type3A_244 : vector<256x256xi32> to vector<256x256xf32>
    %convert_element_type3A_246 = arith.truncf %convert_element_type3A_245 : vector<256x256xf32> to vector<256x256xbf16>
    %convert_element_type3A_247 = arith.extui %eq3A_235 : vector<256x2048xi1> to vector<256x2048xi32>
    %convert_element_type3A_248 = arith.sitofp %convert_element_type3A_247 : vector<256x2048xi32> to vector<256x2048xf32>
    %convert_element_type3A_249 = arith.truncf %convert_element_type3A_248 : vector<256x2048xf32> to vector<256x2048xbf16>
    %dot_general3A_250 = arith.constant dense<0.000000e+00> : vector<256x2048xf32>
    %dot_general3A_251 = tpu.matmul %convert_element_type3A_246, %convert_element_type3A_249, %dot_general3A_250 {dimension_numbers = #tpu.dot_dimension_numbers<[1], [0], [0], [1], [0, 0, 1, 1], [], []>, transpose_lhs_hint = false} : vector<256x256xbf16>, vector<256x2048xbf16>, vector<256x2048xf32> -> vector<256x2048xf32>
    %convert_element_type3A_252 = arith.sitofp %sub3A_241 : vector<1x2048xi32> to vector<1x2048xf32>
    %lt3A_253 = vector.broadcast %convert_element_type3A_252 : vector<1x2048xf32> to vector<256x2048xf32>
    %lt3A_254 = arith.cmpf olt, %dot_general3A_251, %lt3A_253 : vector<256x2048xf32>
    %and3A = arith.andi %eq3A_235, %lt3A_254 : vector<256x2048xi1>
    %or3A = arith.ori %lt3A_234, %and3A : vector<256x2048xi1>
    %convert_element_type3A_255 = arith.extui %or3A : vector<256x2048xi1> to vector<256x2048xi32>
    %convert_element_type3A_256 = arith.sitofp %convert_element_type3A_255 : vector<256x2048xi32> to vector<256x2048xf32>
    %get3A_257 = arith.constant 0 : index
    %get3A_258 = arith.constant 0 : index
    %get3A_259 = vector.load %arg5[%get3A_257, %get3A_258] : memref<58x16xf32, #tpu.memory_space<vmem>>, vector<58x16xf32>
    %get3A_260 = arith.constant 0 : index
    %get3A_261 = arith.constant 0 : index
    %get3A_262 = vector.load %arg6[%get3A_260, %get3A_261] : memref<1x16xf32, #tpu.memory_space<vmem>>, vector<1x16xf32>
    %slice3A_263 = vector.extract_strided_slice %get3A_259 {offsets = [0, 0], sizes = [29, 16], strides = [1, 1]} : vector<58x16xf32> to vector<29x16xf32>
    %slice3A_264 = vector.extract_strided_slice %get3A_259 {offsets = [29, 0], sizes = [29, 16], strides = [1, 1]} : vector<58x16xf32> to vector<29x16xf32>
    %sub3A_265 = arith.subf %slice3A_263, %slice3A_264 : vector<29x16xf32>
    %dot_general3A_266 = arith.constant dense<0.000000e+00> : vector<2048x16xf32>
    %dot_general3A_267 = tpu.matmul %concatenate3A, %sub3A_265, %dot_general3A_266 {dimension_numbers = #tpu.dot_dimension_numbers<[1], [0], [0], [1], [0, 0, 1, 1], [], []>, precision = #tpu.contract_precision<fp32>, transpose_lhs_hint = false} : vector<2048x29xf32>, vector<29x16xf32>, vector<2048x16xf32> -> vector<2048x16xf32>
    %add3A_268 = vector.broadcast %get3A_262 : vector<1x16xf32> to vector<2048x16xf32>
    %add3A_269 = arith.addf %dot_general3A_267, %add3A_268 : vector<2048x16xf32>
    %dot_general3A_270 = arith.constant dense<0.000000e+00> : vector<2048x16xf32>
    %dot_general3A_271 = tpu.matmul %concatenate3A_11, %slice3A_264, %dot_general3A_270 {dimension_numbers = #tpu.dot_dimension_numbers<[1], [0], [0], [1], [0, 0, 1, 1], [], []>, precision = #tpu.contract_precision<fp32>, transpose_lhs_hint = false} : vector<2048x29xf32>, vector<29x16xf32>, vector<2048x16xf32> -> vector<2048x16xf32>
    %convert_element_type3A_272 = arith.truncf %add3A_269 : vector<2048x16xf32> to vector<2048x16xbf16>
    %convert_element_type3A_273 = arith.truncf %dot_general3A_271 : vector<2048x16xf32> to vector<2048x16xbf16>
    %slice3A_274 = vector.extract_strided_slice %convert_element_type3A_272 {offsets = [0, 0], sizes = [256, 16], strides = [1, 1]} : vector<2048x16xbf16> to vector<256x16xbf16>
    %transpose3A_275 = tpu.transpose %slice3A_274, [1, 0] : vector<256x16xbf16> -> vector<16x256xbf16>
    %slice3A_276 = vector.extract_strided_slice %convert_element_type3A_273 {offsets = [0, 0], sizes = [256, 16], strides = [1, 1]} : vector<2048x16xbf16> to vector<256x16xbf16>
    %broadcast_in_dim3A_277 = vector.shape_cast %slice3A_276 : vector<256x16xbf16> to vector<256x16x1xbf16>
    %broadcast_in_dim3A_278 = vector.shape_cast %transpose3A_275 : vector<16x256xbf16> to vector<1x16x256xbf16>
    %add3A_279 = vector.broadcast %broadcast_in_dim3A_277 : vector<256x16x1xbf16> to vector<256x16x256xbf16>
    %add3A_280 = vector.broadcast %broadcast_in_dim3A_278 : vector<1x16x256xbf16> to vector<256x16x256xbf16>
    %add3A_281 = arith.addf %add3A_279, %add3A_280 : vector<256x16x256xbf16>
    %neg3A = arith.constant 0.000000e+00 : bf16
    %neg3A_282 = vector.broadcast %neg3A : bf16 to vector<256x16x256xbf16>
    %neg3A_283 = arith.subf %neg3A_282, %add3A_281 : vector<256x16x256xbf16>
    %exp3A = math.exp %neg3A_283 : vector<256x16x256xbf16>
    %add3A_284 = arith.constant 1.000000e+00 : bf16
    %add3A_285 = vector.broadcast %add3A_284 : bf16 to vector<256x16x256xbf16>
    %add3A_286 = arith.addf %add3A_285, %exp3A : vector<256x16x256xbf16>
    %div3A = arith.constant 1.000000e+00 : bf16
    %div3A_287 = vector.broadcast %div3A : bf16 to vector<256x16x256xbf16>
    %div3A_288 = arith.divf %div3A_287, %add3A_286 : vector<256x16x256xbf16>
    %mul3A_289 = arith.mulf %add3A_281, %div3A_288 : vector<256x16x256xbf16>
    %convert_element_type3A_290 = arith.extf %mul3A_289 : vector<256x16x256xbf16> to vector<256x16x256xf32>
    %slice3A_291 = vector.extract_strided_slice %convert_element_type3A_256 {offsets = [0, 0], sizes = [256, 256], strides = [1, 1]} : vector<256x2048xf32> to vector<256x256xf32>
    %broadcast_in_dim3A_292 = vector.shape_cast %slice3A_291 : vector<256x256xf32> to vector<256x1x256xf32>
    %mul3A_293 = vector.broadcast %broadcast_in_dim3A_292 : vector<256x1x256xf32> to vector<256x16x256xf32>
    %mul3A_294 = arith.mulf %convert_element_type3A_290, %mul3A_293 : vector<256x16x256xf32>
    %reduce_sum3A_295 = arith.constant dense<0.000000e+00> : vector<16x256xf32>
    %reduce_sum3A_296 = vector.multi_reduction <add>, %mul3A_294, %reduce_sum3A_295 [0] : vector<256x16x256xf32> to vector<16x256xf32>
    %transpose3A_297 = tpu.transpose %reduce_sum3A_296, [1, 0] : vector<16x256xf32> -> vector<256x16xf32>
    %slice3A_298 = vector.extract_strided_slice %convert_element_type3A_272 {offsets = [256, 0], sizes = [256, 16], strides = [1, 1]} : vector<2048x16xbf16> to vector<256x16xbf16>
    %transpose3A_299 = tpu.transpose %slice3A_298, [1, 0] : vector<256x16xbf16> -> vector<16x256xbf16>
    %slice3A_300 = vector.extract_strided_slice %convert_element_type3A_273 {offsets = [256, 0], sizes = [256, 16], strides = [1, 1]} : vector<2048x16xbf16> to vector<256x16xbf16>
    %broadcast_in_dim3A_301 = vector.shape_cast %slice3A_300 : vector<256x16xbf16> to vector<256x16x1xbf16>
    %broadcast_in_dim3A_302 = vector.shape_cast %transpose3A_299 : vector<16x256xbf16> to vector<1x16x256xbf16>
    %add3A_303 = vector.broadcast %broadcast_in_dim3A_301 : vector<256x16x1xbf16> to vector<256x16x256xbf16>
    %add3A_304 = vector.broadcast %broadcast_in_dim3A_302 : vector<1x16x256xbf16> to vector<256x16x256xbf16>
    %add3A_305 = arith.addf %add3A_303, %add3A_304 : vector<256x16x256xbf16>
    %neg3A_306 = arith.constant 0.000000e+00 : bf16
    %neg3A_307 = vector.broadcast %neg3A_306 : bf16 to vector<256x16x256xbf16>
    %neg3A_308 = arith.subf %neg3A_307, %add3A_305 : vector<256x16x256xbf16>
    %exp3A_309 = math.exp %neg3A_308 : vector<256x16x256xbf16>
    %add3A_310 = arith.constant 1.000000e+00 : bf16
    %add3A_311 = vector.broadcast %add3A_310 : bf16 to vector<256x16x256xbf16>
    %add3A_312 = arith.addf %add3A_311, %exp3A_309 : vector<256x16x256xbf16>
    %div3A_313 = arith.constant 1.000000e+00 : bf16
    %div3A_314 = vector.broadcast %div3A_313 : bf16 to vector<256x16x256xbf16>
    %div3A_315 = arith.divf %div3A_314, %add3A_312 : vector<256x16x256xbf16>
    %mul3A_316 = arith.mulf %add3A_305, %div3A_315 : vector<256x16x256xbf16>
    %convert_element_type3A_317 = arith.extf %mul3A_316 : vector<256x16x256xbf16> to vector<256x16x256xf32>
    %slice3A_318 = vector.extract_strided_slice %convert_element_type3A_256 {offsets = [0, 256], sizes = [256, 256], strides = [1, 1]} : vector<256x2048xf32> to vector<256x256xf32>
    %broadcast_in_dim3A_319 = vector.shape_cast %slice3A_318 : vector<256x256xf32> to vector<256x1x256xf32>
    %mul3A_320 = vector.broadcast %broadcast_in_dim3A_319 : vector<256x1x256xf32> to vector<256x16x256xf32>
    %mul3A_321 = arith.mulf %convert_element_type3A_317, %mul3A_320 : vector<256x16x256xf32>
    %reduce_sum3A_322 = arith.constant dense<0.000000e+00> : vector<16x256xf32>
    %reduce_sum3A_323 = vector.multi_reduction <add>, %mul3A_321, %reduce_sum3A_322 [0] : vector<256x16x256xf32> to vector<16x256xf32>
    %transpose3A_324 = tpu.transpose %reduce_sum3A_323, [1, 0] : vector<16x256xf32> -> vector<256x16xf32>
    %slice3A_325 = vector.extract_strided_slice %convert_element_type3A_272 {offsets = [512, 0], sizes = [256, 16], strides = [1, 1]} : vector<2048x16xbf16> to vector<256x16xbf16>
    %transpose3A_326 = tpu.transpose %slice3A_325, [1, 0] : vector<256x16xbf16> -> vector<16x256xbf16>
    %slice3A_327 = vector.extract_strided_slice %convert_element_type3A_273 {offsets = [512, 0], sizes = [256, 16], strides = [1, 1]} : vector<2048x16xbf16> to vector<256x16xbf16>
    %broadcast_in_dim3A_328 = vector.shape_cast %slice3A_327 : vector<256x16xbf16> to vector<256x16x1xbf16>
    %broadcast_in_dim3A_329 = vector.shape_cast %transpose3A_326 : vector<16x256xbf16> to vector<1x16x256xbf16>
    %add3A_330 = vector.broadcast %broadcast_in_dim3A_328 : vector<256x16x1xbf16> to vector<256x16x256xbf16>
    %add3A_331 = vector.broadcast %broadcast_in_dim3A_329 : vector<1x16x256xbf16> to vector<256x16x256xbf16>
    %add3A_332 = arith.addf %add3A_330, %add3A_331 : vector<256x16x256xbf16>
    %neg3A_333 = arith.constant 0.000000e+00 : bf16
    %neg3A_334 = vector.broadcast %neg3A_333 : bf16 to vector<256x16x256xbf16>
    %neg3A_335 = arith.subf %neg3A_334, %add3A_332 : vector<256x16x256xbf16>
    %exp3A_336 = math.exp %neg3A_335 : vector<256x16x256xbf16>
    %add3A_337 = arith.constant 1.000000e+00 : bf16
    %add3A_338 = vector.broadcast %add3A_337 : bf16 to vector<256x16x256xbf16>
    %add3A_339 = arith.addf %add3A_338, %exp3A_336 : vector<256x16x256xbf16>
    %div3A_340 = arith.constant 1.000000e+00 : bf16
    %div3A_341 = vector.broadcast %div3A_340 : bf16 to vector<256x16x256xbf16>
    %div3A_342 = arith.divf %div3A_341, %add3A_339 : vector<256x16x256xbf16>
    %mul3A_343 = arith.mulf %add3A_332, %div3A_342 : vector<256x16x256xbf16>
    %convert_element_type3A_344 = arith.extf %mul3A_343 : vector<256x16x256xbf16> to vector<256x16x256xf32>
    %slice3A_345 = vector.extract_strided_slice %convert_element_type3A_256 {offsets = [0, 512], sizes = [256, 256], strides = [1, 1]} : vector<256x2048xf32> to vector<256x256xf32>
    %broadcast_in_dim3A_346 = vector.shape_cast %slice3A_345 : vector<256x256xf32> to vector<256x1x256xf32>
    %mul3A_347 = vector.broadcast %broadcast_in_dim3A_346 : vector<256x1x256xf32> to vector<256x16x256xf32>
    %mul3A_348 = arith.mulf %convert_element_type3A_344, %mul3A_347 : vector<256x16x256xf32>
    %reduce_sum3A_349 = arith.constant dense<0.000000e+00> : vector<16x256xf32>
    %reduce_sum3A_350 = vector.multi_reduction <add>, %mul3A_348, %reduce_sum3A_349 [0] : vector<256x16x256xf32> to vector<16x256xf32>
    %transpose3A_351 = tpu.transpose %reduce_sum3A_350, [1, 0] : vector<16x256xf32> -> vector<256x16xf32>
    %slice3A_352 = vector.extract_strided_slice %convert_element_type3A_272 {offsets = [768, 0], sizes = [256, 16], strides = [1, 1]} : vector<2048x16xbf16> to vector<256x16xbf16>
    %transpose3A_353 = tpu.transpose %slice3A_352, [1, 0] : vector<256x16xbf16> -> vector<16x256xbf16>
    %slice3A_354 = vector.extract_strided_slice %convert_element_type3A_273 {offsets = [768, 0], sizes = [256, 16], strides = [1, 1]} : vector<2048x16xbf16> to vector<256x16xbf16>
    %broadcast_in_dim3A_355 = vector.shape_cast %slice3A_354 : vector<256x16xbf16> to vector<256x16x1xbf16>
    %broadcast_in_dim3A_356 = vector.shape_cast %transpose3A_353 : vector<16x256xbf16> to vector<1x16x256xbf16>
    %add3A_357 = vector.broadcast %broadcast_in_dim3A_355 : vector<256x16x1xbf16> to vector<256x16x256xbf16>
    %add3A_358 = vector.broadcast %broadcast_in_dim3A_356 : vector<1x16x256xbf16> to vector<256x16x256xbf16>
    %add3A_359 = arith.addf %add3A_357, %add3A_358 : vector<256x16x256xbf16>
    %neg3A_360 = arith.constant 0.000000e+00 : bf16
    %neg3A_361 = vector.broadcast %neg3A_360 : bf16 to vector<256x16x256xbf16>
    %neg3A_362 = arith.subf %neg3A_361, %add3A_359 : vector<256x16x256xbf16>
    %exp3A_363 = math.exp %neg3A_362 : vector<256x16x256xbf16>
    %add3A_364 = arith.constant 1.000000e+00 : bf16
    %add3A_365 = vector.broadcast %add3A_364 : bf16 to vector<256x16x256xbf16>
    %add3A_366 = arith.addf %add3A_365, %exp3A_363 : vector<256x16x256xbf16>
    %div3A_367 = arith.constant 1.000000e+00 : bf16
    %div3A_368 = vector.broadcast %div3A_367 : bf16 to vector<256x16x256xbf16>
    %div3A_369 = arith.divf %div3A_368, %add3A_366 : vector<256x16x256xbf16>
    %mul3A_370 = arith.mulf %add3A_359, %div3A_369 : vector<256x16x256xbf16>
    %convert_element_type3A_371 = arith.extf %mul3A_370 : vector<256x16x256xbf16> to vector<256x16x256xf32>
    %slice3A_372 = vector.extract_strided_slice %convert_element_type3A_256 {offsets = [0, 768], sizes = [256, 256], strides = [1, 1]} : vector<256x2048xf32> to vector<256x256xf32>
    %broadcast_in_dim3A_373 = vector.shape_cast %slice3A_372 : vector<256x256xf32> to vector<256x1x256xf32>
    %mul3A_374 = vector.broadcast %broadcast_in_dim3A_373 : vector<256x1x256xf32> to vector<256x16x256xf32>
    %mul3A_375 = arith.mulf %convert_element_type3A_371, %mul3A_374 : vector<256x16x256xf32>
    %reduce_sum3A_376 = arith.constant dense<0.000000e+00> : vector<16x256xf32>
    %reduce_sum3A_377 = vector.multi_reduction <add>, %mul3A_375, %reduce_sum3A_376 [0] : vector<256x16x256xf32> to vector<16x256xf32>
    %transpose3A_378 = tpu.transpose %reduce_sum3A_377, [1, 0] : vector<16x256xf32> -> vector<256x16xf32>
    %slice3A_379 = vector.extract_strided_slice %convert_element_type3A_272 {offsets = [1024, 0], sizes = [256, 16], strides = [1, 1]} : vector<2048x16xbf16> to vector<256x16xbf16>
    %transpose3A_380 = tpu.transpose %slice3A_379, [1, 0] : vector<256x16xbf16> -> vector<16x256xbf16>
    %slice3A_381 = vector.extract_strided_slice %convert_element_type3A_273 {offsets = [1024, 0], sizes = [256, 16], strides = [1, 1]} : vector<2048x16xbf16> to vector<256x16xbf16>
    %broadcast_in_dim3A_382 = vector.shape_cast %slice3A_381 : vector<256x16xbf16> to vector<256x16x1xbf16>
    %broadcast_in_dim3A_383 = vector.shape_cast %transpose3A_380 : vector<16x256xbf16> to vector<1x16x256xbf16>
    %add3A_384 = vector.broadcast %broadcast_in_dim3A_382 : vector<256x16x1xbf16> to vector<256x16x256xbf16>
    %add3A_385 = vector.broadcast %broadcast_in_dim3A_383 : vector<1x16x256xbf16> to vector<256x16x256xbf16>
    %add3A_386 = arith.addf %add3A_384, %add3A_385 : vector<256x16x256xbf16>
    %neg3A_387 = arith.constant 0.000000e+00 : bf16
    %neg3A_388 = vector.broadcast %neg3A_387 : bf16 to vector<256x16x256xbf16>
    %neg3A_389 = arith.subf %neg3A_388, %add3A_386 : vector<256x16x256xbf16>
    %exp3A_390 = math.exp %neg3A_389 : vector<256x16x256xbf16>
    %add3A_391 = arith.constant 1.000000e+00 : bf16
    %add3A_392 = vector.broadcast %add3A_391 : bf16 to vector<256x16x256xbf16>
    %add3A_393 = arith.addf %add3A_392, %exp3A_390 : vector<256x16x256xbf16>
    %div3A_394 = arith.constant 1.000000e+00 : bf16
    %div3A_395 = vector.broadcast %div3A_394 : bf16 to vector<256x16x256xbf16>
    %div3A_396 = arith.divf %div3A_395, %add3A_393 : vector<256x16x256xbf16>
    %mul3A_397 = arith.mulf %add3A_386, %div3A_396 : vector<256x16x256xbf16>
    %convert_element_type3A_398 = arith.extf %mul3A_397 : vector<256x16x256xbf16> to vector<256x16x256xf32>
    %slice3A_399 = vector.extract_strided_slice %convert_element_type3A_256 {offsets = [0, 1024], sizes = [256, 256], strides = [1, 1]} : vector<256x2048xf32> to vector<256x256xf32>
    %broadcast_in_dim3A_400 = vector.shape_cast %slice3A_399 : vector<256x256xf32> to vector<256x1x256xf32>
    %mul3A_401 = vector.broadcast %broadcast_in_dim3A_400 : vector<256x1x256xf32> to vector<256x16x256xf32>
    %mul3A_402 = arith.mulf %convert_element_type3A_398, %mul3A_401 : vector<256x16x256xf32>
    %reduce_sum3A_403 = arith.constant dense<0.000000e+00> : vector<16x256xf32>
    %reduce_sum3A_404 = vector.multi_reduction <add>, %mul3A_402, %reduce_sum3A_403 [0] : vector<256x16x256xf32> to vector<16x256xf32>
    %transpose3A_405 = tpu.transpose %reduce_sum3A_404, [1, 0] : vector<16x256xf32> -> vector<256x16xf32>
    %slice3A_406 = vector.extract_strided_slice %convert_element_type3A_272 {offsets = [1280, 0], sizes = [256, 16], strides = [1, 1]} : vector<2048x16xbf16> to vector<256x16xbf16>
    %transpose3A_407 = tpu.transpose %slice3A_406, [1, 0] : vector<256x16xbf16> -> vector<16x256xbf16>
    %slice3A_408 = vector.extract_strided_slice %convert_element_type3A_273 {offsets = [1280, 0], sizes = [256, 16], strides = [1, 1]} : vector<2048x16xbf16> to vector<256x16xbf16>
    %broadcast_in_dim3A_409 = vector.shape_cast %slice3A_408 : vector<256x16xbf16> to vector<256x16x1xbf16>
    %broadcast_in_dim3A_410 = vector.shape_cast %transpose3A_407 : vector<16x256xbf16> to vector<1x16x256xbf16>
    %add3A_411 = vector.broadcast %broadcast_in_dim3A_409 : vector<256x16x1xbf16> to vector<256x16x256xbf16>
    %add3A_412 = vector.broadcast %broadcast_in_dim3A_410 : vector<1x16x256xbf16> to vector<256x16x256xbf16>
    %add3A_413 = arith.addf %add3A_411, %add3A_412 : vector<256x16x256xbf16>
    %neg3A_414 = arith.constant 0.000000e+00 : bf16
    %neg3A_415 = vector.broadcast %neg3A_414 : bf16 to vector<256x16x256xbf16>
    %neg3A_416 = arith.subf %neg3A_415, %add3A_413 : vector<256x16x256xbf16>
    %exp3A_417 = math.exp %neg3A_416 : vector<256x16x256xbf16>
    %add3A_418 = arith.constant 1.000000e+00 : bf16
    %add3A_419 = vector.broadcast %add3A_418 : bf16 to vector<256x16x256xbf16>
    %add3A_420 = arith.addf %add3A_419, %exp3A_417 : vector<256x16x256xbf16>
    %div3A_421 = arith.constant 1.000000e+00 : bf16
    %div3A_422 = vector.broadcast %div3A_421 : bf16 to vector<256x16x256xbf16>
    %div3A_423 = arith.divf %div3A_422, %add3A_420 : vector<256x16x256xbf16>
    %mul3A_424 = arith.mulf %add3A_413, %div3A_423 : vector<256x16x256xbf16>
    %convert_element_type3A_425 = arith.extf %mul3A_424 : vector<256x16x256xbf16> to vector<256x16x256xf32>
    %slice3A_426 = vector.extract_strided_slice %convert_element_type3A_256 {offsets = [0, 1280], sizes = [256, 256], strides = [1, 1]} : vector<256x2048xf32> to vector<256x256xf32>
    %broadcast_in_dim3A_427 = vector.shape_cast %slice3A_426 : vector<256x256xf32> to vector<256x1x256xf32>
    %mul3A_428 = vector.broadcast %broadcast_in_dim3A_427 : vector<256x1x256xf32> to vector<256x16x256xf32>
    %mul3A_429 = arith.mulf %convert_element_type3A_425, %mul3A_428 : vector<256x16x256xf32>
    %reduce_sum3A_430 = arith.constant dense<0.000000e+00> : vector<16x256xf32>
    %reduce_sum3A_431 = vector.multi_reduction <add>, %mul3A_429, %reduce_sum3A_430 [0] : vector<256x16x256xf32> to vector<16x256xf32>
    %transpose3A_432 = tpu.transpose %reduce_sum3A_431, [1, 0] : vector<16x256xf32> -> vector<256x16xf32>
    %slice3A_433 = vector.extract_strided_slice %convert_element_type3A_272 {offsets = [1536, 0], sizes = [256, 16], strides = [1, 1]} : vector<2048x16xbf16> to vector<256x16xbf16>
    %transpose3A_434 = tpu.transpose %slice3A_433, [1, 0] : vector<256x16xbf16> -> vector<16x256xbf16>
    %slice3A_435 = vector.extract_strided_slice %convert_element_type3A_273 {offsets = [1536, 0], sizes = [256, 16], strides = [1, 1]} : vector<2048x16xbf16> to vector<256x16xbf16>
    %broadcast_in_dim3A_436 = vector.shape_cast %slice3A_435 : vector<256x16xbf16> to vector<256x16x1xbf16>
    %broadcast_in_dim3A_437 = vector.shape_cast %transpose3A_434 : vector<16x256xbf16> to vector<1x16x256xbf16>
    %add3A_438 = vector.broadcast %broadcast_in_dim3A_436 : vector<256x16x1xbf16> to vector<256x16x256xbf16>
    %add3A_439 = vector.broadcast %broadcast_in_dim3A_437 : vector<1x16x256xbf16> to vector<256x16x256xbf16>
    %add3A_440 = arith.addf %add3A_438, %add3A_439 : vector<256x16x256xbf16>
    %neg3A_441 = arith.constant 0.000000e+00 : bf16
    %neg3A_442 = vector.broadcast %neg3A_441 : bf16 to vector<256x16x256xbf16>
    %neg3A_443 = arith.subf %neg3A_442, %add3A_440 : vector<256x16x256xbf16>
    %exp3A_444 = math.exp %neg3A_443 : vector<256x16x256xbf16>
    %add3A_445 = arith.constant 1.000000e+00 : bf16
    %add3A_446 = vector.broadcast %add3A_445 : bf16 to vector<256x16x256xbf16>
    %add3A_447 = arith.addf %add3A_446, %exp3A_444 : vector<256x16x256xbf16>
    %div3A_448 = arith.constant 1.000000e+00 : bf16
    %div3A_449 = vector.broadcast %div3A_448 : bf16 to vector<256x16x256xbf16>
    %div3A_450 = arith.divf %div3A_449, %add3A_447 : vector<256x16x256xbf16>
    %mul3A_451 = arith.mulf %add3A_440, %div3A_450 : vector<256x16x256xbf16>
    %convert_element_type3A_452 = arith.extf %mul3A_451 : vector<256x16x256xbf16> to vector<256x16x256xf32>
    %slice3A_453 = vector.extract_strided_slice %convert_element_type3A_256 {offsets = [0, 1536], sizes = [256, 256], strides = [1, 1]} : vector<256x2048xf32> to vector<256x256xf32>
    %broadcast_in_dim3A_454 = vector.shape_cast %slice3A_453 : vector<256x256xf32> to vector<256x1x256xf32>
    %mul3A_455 = vector.broadcast %broadcast_in_dim3A_454 : vector<256x1x256xf32> to vector<256x16x256xf32>
    %mul3A_456 = arith.mulf %convert_element_type3A_452, %mul3A_455 : vector<256x16x256xf32>
    %reduce_sum3A_457 = arith.constant dense<0.000000e+00> : vector<16x256xf32>
    %reduce_sum3A_458 = vector.multi_reduction <add>, %mul3A_456, %reduce_sum3A_457 [0] : vector<256x16x256xf32> to vector<16x256xf32>
    %transpose3A_459 = tpu.transpose %reduce_sum3A_458, [1, 0] : vector<16x256xf32> -> vector<256x16xf32>
    %slice3A_460 = vector.extract_strided_slice %convert_element_type3A_272 {offsets = [1792, 0], sizes = [256, 16], strides = [1, 1]} : vector<2048x16xbf16> to vector<256x16xbf16>
    %transpose3A_461 = tpu.transpose %slice3A_460, [1, 0] : vector<256x16xbf16> -> vector<16x256xbf16>
    %slice3A_462 = vector.extract_strided_slice %convert_element_type3A_273 {offsets = [1792, 0], sizes = [256, 16], strides = [1, 1]} : vector<2048x16xbf16> to vector<256x16xbf16>
    %broadcast_in_dim3A_463 = vector.shape_cast %slice3A_462 : vector<256x16xbf16> to vector<256x16x1xbf16>
    %broadcast_in_dim3A_464 = vector.shape_cast %transpose3A_461 : vector<16x256xbf16> to vector<1x16x256xbf16>
    %add3A_465 = vector.broadcast %broadcast_in_dim3A_463 : vector<256x16x1xbf16> to vector<256x16x256xbf16>
    %add3A_466 = vector.broadcast %broadcast_in_dim3A_464 : vector<1x16x256xbf16> to vector<256x16x256xbf16>
    %add3A_467 = arith.addf %add3A_465, %add3A_466 : vector<256x16x256xbf16>
    %neg3A_468 = arith.constant 0.000000e+00 : bf16
    %neg3A_469 = vector.broadcast %neg3A_468 : bf16 to vector<256x16x256xbf16>
    %neg3A_470 = arith.subf %neg3A_469, %add3A_467 : vector<256x16x256xbf16>
    %exp3A_471 = math.exp %neg3A_470 : vector<256x16x256xbf16>
    %add3A_472 = arith.constant 1.000000e+00 : bf16
    %add3A_473 = vector.broadcast %add3A_472 : bf16 to vector<256x16x256xbf16>
    %add3A_474 = arith.addf %add3A_473, %exp3A_471 : vector<256x16x256xbf16>
    %div3A_475 = arith.constant 1.000000e+00 : bf16
    %div3A_476 = vector.broadcast %div3A_475 : bf16 to vector<256x16x256xbf16>
    %div3A_477 = arith.divf %div3A_476, %add3A_474 : vector<256x16x256xbf16>
    %mul3A_478 = arith.mulf %add3A_467, %div3A_477 : vector<256x16x256xbf16>
    %convert_element_type3A_479 = arith.extf %mul3A_478 : vector<256x16x256xbf16> to vector<256x16x256xf32>
    %slice3A_480 = vector.extract_strided_slice %convert_element_type3A_256 {offsets = [0, 1792], sizes = [256, 256], strides = [1, 1]} : vector<256x2048xf32> to vector<256x256xf32>
    %broadcast_in_dim3A_481 = vector.shape_cast %slice3A_480 : vector<256x256xf32> to vector<256x1x256xf32>
    %mul3A_482 = vector.broadcast %broadcast_in_dim3A_481 : vector<256x1x256xf32> to vector<256x16x256xf32>
    %mul3A_483 = arith.mulf %convert_element_type3A_479, %mul3A_482 : vector<256x16x256xf32>
    %reduce_sum3A_484 = arith.constant dense<0.000000e+00> : vector<16x256xf32>
    %reduce_sum3A_485 = vector.multi_reduction <add>, %mul3A_483, %reduce_sum3A_484 [0] : vector<256x16x256xf32> to vector<16x256xf32>
    %transpose3A_486 = tpu.transpose %reduce_sum3A_485, [1, 0] : vector<16x256xf32> -> vector<256x16xf32>
    %concatenate3A_487 = tpu.concatenate %transpose3A_297, %transpose3A_324, %transpose3A_351, %transpose3A_378, %transpose3A_405, %transpose3A_432, %transpose3A_459, %transpose3A_486 in 0 : vector<256x16xf32>, vector<256x16xf32>, vector<256x16xf32>, vector<256x16xf32>, vector<256x16xf32>, vector<256x16xf32>, vector<256x16xf32>, vector<256x16xf32> -> vector<2048x16xf32>
    %mul3A_488 = arith.constant 6.250000e-02 : f32
    %mul3A_489 = vector.broadcast %mul3A_488 : f32 to vector<2048x16xf32>
    %mul3A_490 = arith.mulf %concatenate3A_487, %mul3A_489 : vector<2048x16xf32>
    %get3A_491 = arith.constant 0 : index
    %get3A_492 = arith.constant 0 : index
    %get3A_493 = vector.load %arg7[%get3A_491, %get3A_492] : memref<16x16xf32, #tpu.memory_space<vmem>>, vector<16x16xf32>
    %dot_general3A_494 = arith.constant dense<0.000000e+00> : vector<2048x16xf32>
    %dot_general3A_495 = tpu.matmul %mul3A_490, %get3A_493, %dot_general3A_494 {dimension_numbers = #tpu.dot_dimension_numbers<[1], [0], [0], [1], [0, 0, 1, 1], [], []>, precision = #tpu.contract_precision<fp32>, transpose_lhs_hint = false} : vector<2048x16xf32>, vector<16x16xf32>, vector<2048x16xf32> -> vector<2048x16xf32>
    %get3A_496 = arith.constant 0 : index
    %get3A_497 = arith.constant 0 : index
    %get3A_498 = vector.load %arg8[%get3A_496, %get3A_497] : memref<1x16xf32, #tpu.memory_space<vmem>>, vector<1x16xf32>
    %add3A_499 = vector.broadcast %get3A_498 : vector<1x16xf32> to vector<2048x16xf32>
    %add3A_500 = arith.addf %dot_general3A_495, %add3A_499 : vector<2048x16xf32>
    %get3A_501 = arith.constant 0 : index
    %get3A_502 = arith.constant 0 : index
    %get3A_503 = vector.load %arg9[%get3A_501, %get3A_502] : memref<16x32xf32, #tpu.memory_space<vmem>>, vector<16x32xf32>
    %dot_general3A_504 = arith.constant dense<0.000000e+00> : vector<2048x32xf32>
    %dot_general3A_505 = tpu.matmul %add3A_500, %get3A_503, %dot_general3A_504 {dimension_numbers = #tpu.dot_dimension_numbers<[1], [0], [0], [1], [0, 0, 1, 1], [], []>, precision = #tpu.contract_precision<fp32>, transpose_lhs_hint = false} : vector<2048x16xf32>, vector<16x32xf32>, vector<2048x32xf32> -> vector<2048x32xf32>
    %get3A_506 = arith.constant 0 : index
    %get3A_507 = arith.constant 0 : index
    %get3A_508 = vector.load %arg10[%get3A_506, %get3A_507] : memref<1x32xf32, #tpu.memory_space<vmem>>, vector<1x32xf32>
    %add3A_509 = vector.broadcast %get3A_508 : vector<1x32xf32> to vector<2048x32xf32>
    %add3A_510 = arith.addf %dot_general3A_505, %add3A_509 : vector<2048x32xf32>
    %neg3A_511 = arith.constant 0.000000e+00 : f32
    %neg3A_512 = vector.broadcast %neg3A_511 : f32 to vector<2048x32xf32>
    %neg3A_513 = arith.subf %neg3A_512, %add3A_510 : vector<2048x32xf32>
    %exp3A_514 = math.exp %neg3A_513 : vector<2048x32xf32>
    %add3A_515 = arith.constant 1.000000e+00 : f32
    %add3A_516 = vector.broadcast %add3A_515 : f32 to vector<2048x32xf32>
    %add3A_517 = arith.addf %add3A_516, %exp3A_514 : vector<2048x32xf32>
    %div3A_518 = arith.constant 1.000000e+00 : f32
    %div3A_519 = vector.broadcast %div3A_518 : f32 to vector<2048x32xf32>
    %div3A_520 = arith.divf %div3A_519, %add3A_517 : vector<2048x32xf32>
    %mul3A_521 = arith.mulf %add3A_510, %div3A_520 : vector<2048x32xf32>
    %get3A_522 = arith.constant 0 : index
    %get3A_523 = arith.constant 0 : index
    %get3A_524 = vector.load %arg11[%get3A_522, %get3A_523] : memref<32x4xf32, #tpu.memory_space<vmem>>, vector<32x4xf32>
    %dot_general3A_525 = arith.constant dense<0.000000e+00> : vector<2048x4xf32>
    %dot_general3A_526 = tpu.matmul %mul3A_521, %get3A_524, %dot_general3A_525 {dimension_numbers = #tpu.dot_dimension_numbers<[1], [0], [0], [1], [0, 0, 1, 1], [], []>, precision = #tpu.contract_precision<fp32>, transpose_lhs_hint = false} : vector<2048x32xf32>, vector<32x4xf32>, vector<2048x4xf32> -> vector<2048x4xf32>
    %get3A_527 = arith.constant 0 : index
    %get3A_528 = arith.constant 0 : index
    %get3A_529 = vector.load %arg12[%get3A_527, %get3A_528] : memref<1x4xf32, #tpu.memory_space<vmem>>, vector<1x4xf32>
    %add3A_530 = vector.broadcast %get3A_529 : vector<1x4xf32> to vector<2048x4xf32>
    %add3A_531 = arith.addf %dot_general3A_526, %add3A_530 : vector<2048x4xf32>
    %neg3A_532 = arith.constant 0.000000e+00 : f32
    %neg3A_533 = vector.broadcast %neg3A_532 : f32 to vector<2048x4xf32>
    %neg3A_534 = arith.subf %neg3A_533, %add3A_531 : vector<2048x4xf32>
    %exp3A_535 = math.exp %neg3A_534 : vector<2048x4xf32>
    %add3A_536 = arith.constant 1.000000e+00 : f32
    %add3A_537 = vector.broadcast %add3A_536 : f32 to vector<2048x4xf32>
    %add3A_538 = arith.addf %add3A_537, %exp3A_535 : vector<2048x4xf32>
    %div3A_539 = arith.constant 1.000000e+00 : f32
    %div3A_540 = vector.broadcast %div3A_539 : f32 to vector<2048x4xf32>
    %div3A_541 = arith.divf %div3A_540, %add3A_538 : vector<2048x4xf32>
    %mul3A_542 = arith.mulf %add3A_531, %div3A_541 : vector<2048x4xf32>
    %get3A_543 = arith.constant 0 : index
    %get3A_544 = arith.constant 0 : index
    %get3A_545 = vector.load %arg13[%get3A_543, %get3A_544] : memref<4x1xf32, #tpu.memory_space<vmem>>, vector<4x1xf32>
    %dot_general3A_546 = arith.constant dense<0.000000e+00> : vector<2048x1xf32>
    %dot_general3A_547 = tpu.matmul %mul3A_542, %get3A_545, %dot_general3A_546 {dimension_numbers = #tpu.dot_dimension_numbers<[1], [0], [0], [1], [0, 0, 1, 1], [], []>, precision = #tpu.contract_precision<fp32>, transpose_lhs_hint = false} : vector<2048x4xf32>, vector<4x1xf32>, vector<2048x1xf32> -> vector<2048x1xf32>
    %get3A_548 = arith.constant 0 : index
    %get3A_549 = arith.constant 0 : index
    %get3A_550 = vector.load %arg14[%get3A_548, %get3A_549] : memref<1x1xf32, #tpu.memory_space<vmem>>, vector<1x1xf32>
    %add3A_551 = vector.broadcast %get3A_550 : vector<1x1xf32> to vector<2048x1xf32>
    %add3A_552 = arith.addf %dot_general3A_547, %add3A_551 : vector<2048x1xf32>
    %swap3A = arith.constant 0 : index
    %swap3A_553 = arith.constant 0 : index
    %swap3A_554 = vector.load %arg15[%swap3A, %swap3A_553] : memref<2048x1xf32, #tpu.memory_space<vmem>>, vector<2048x1xf32>
    tpu.vector_store %arg15[%swap3A, %swap3A_553], %add3A_552 {strides = array<i32>} : memref<2048x1xf32, #tpu.memory_space<vmem>>, vector<2048x1xf32>,
    return
  }
  func.func @transform_0(%arg0: i32) -> (i32, i32) {
    %c0_i32 = arith.constant 0 : i32
    %c0_i32_0 = arith.constant 0 : i32
    return %arg0, %c0_i32 : i32, i32
  }
  func.func @transform_1(%arg0: i32) -> (i32, i32) {
    %c0_i32 = arith.constant 0 : i32
    %c0_i32_0 = arith.constant 0 : i32
    return %arg0, %c0_i32 : i32, i32
  }
  func.func @transform_2(%arg0: i32) -> (i32, i32) {
    %c0_i32 = arith.constant 0 : i32
    %c0_i32_0 = arith.constant 0 : i32
    return %arg0, %c0_i32 : i32, i32
  }
  func.func @transform_3(%arg0: i32) -> (i32, i32) {
    %c0_i32 = arith.constant 0 : i32
    %c0_i32_0 = arith.constant 0 : i32
    return %arg0, %c0_i32 : i32, i32
  }
  func.func @transform_4(%arg0: i32) -> (i32, i32) {
    %c0_i32 = arith.constant 0 : i32
    %c0_i32_0 = arith.constant 0 : i32
    %c0_i32_1 = arith.constant 0 : i32
    return %c0_i32, %c0_i32_0 : i32, i32
  }
  func.func @transform_5(%arg0: i32) -> (i32, i32) {
    %c0_i32 = arith.constant 0 : i32
    %c0_i32_0 = arith.constant 0 : i32
    %c0_i32_1 = arith.constant 0 : i32
    return %c0_i32, %c0_i32_0 : i32, i32
  }
  func.func @transform_6(%arg0: i32) -> (i32, i32) {
    %c0_i32 = arith.constant 0 : i32
    %c0_i32_0 = arith.constant 0 : i32
    %c0_i32_1 = arith.constant 0 : i32
    return %c0_i32, %c0_i32_0 : i32, i32
  }
  func.func @transform_7(%arg0: i32) -> (i32, i32) {
    %c0_i32 = arith.constant 0 : i32
    %c0_i32_0 = arith.constant 0 : i32
    %c0_i32_1 = arith.constant 0 : i32
    return %c0_i32, %c0_i32_0 : i32, i32
  }
  func.func @transform_8(%arg0: i32) -> (i32, i32) {
    %c0_i32 = arith.constant 0 : i32
    %c0_i32_0 = arith.constant 0 : i32
    %c0_i32_1 = arith.constant 0 : i32
    return %c0_i32, %c0_i32_0 : i32, i32
  }
  func.func @transform_9(%arg0: i32) -> (i32, i32) {
    %c0_i32 = arith.constant 0 : i32
    %c0_i32_0 = arith.constant 0 : i32
    %c0_i32_1 = arith.constant 0 : i32
    return %c0_i32, %c0_i32_0 : i32, i32
  }
  func.func @transform_10(%arg0: i32) -> (i32, i32) {
    %c0_i32 = arith.constant 0 : i32
    %c0_i32_0 = arith.constant 0 : i32
    %c0_i32_1 = arith.constant 0 : i32
    return %c0_i32, %c0_i32_0 : i32, i32
  }
  func.func @transform_11(%arg0: i32) -> (i32, i32) {
    %c0_i32 = arith.constant 0 : i32
    %c0_i32_0 = arith.constant 0 : i32
    %c0_i32_1 = arith.constant 0 : i32
    return %c0_i32, %c0_i32_0 : i32, i32
  }
  func.func @transform_12(%arg0: i32) -> (i32, i32) {
    %c0_i32 = arith.constant 0 : i32
    %c0_i32_0 = arith.constant 0 : i32
    %c0_i32_1 = arith.constant 0 : i32
    return %c0_i32, %c0_i32_0 : i32, i32
  }
  func.func @transform_13(%arg0: i32) -> (i32, i32) {
    %c0_i32 = arith.constant 0 : i32
    %c0_i32_0 = arith.constant 0 : i32
    %c0_i32_1 = arith.constant 0 : i32
    return %c0_i32, %c0_i32_0 : i32, i32
  }
  func.func @transform_14(%arg0: i32) -> (i32, i32) {
    %c0_i32 = arith.constant 0 : i32
    %c0_i32_0 = arith.constant 0 : i32
    return %arg0, %c0_i32 : i32, i32
  }
}

</mosaic_0001>

<sc_bundles>
// kernel: gather_offload_async_start
scs
__scs_entry_jumppad:
0x0: {  	(pc) =	sbr.rel $0x88, $3  }
0x1: {  	(tag) =	ssettag $0x0;
	lr =	simm.s32 $0x1  }
0x2: {  	[smem:$0x3F88] =	sst lr;
	_ =	strace $0xD0000000  }
0x3: {  	_ = 	snop  }
0x4: {  	_ = 	snop  }
0x5: {  	_ = 	snop  }
0x6: {  	_ = 	snop  }
0x7: {  	_ = 	snop  }
__scs_overlays_trampoline_lowered:
0x8: {  	[smem:$0x3F97] =	sst s0  }
0x9: {  	[smem:$0x3F98] =	sst s1  }
0xa: {  	[smem:$0x3F99] =	sst s2  }
0xb: {  	[smem:$0x3F9A] =	sst s3  }
0xc: {  	[smem:$0x3F9B] =	sst s4  }
0xd: {  	[smem:$0x3F9C] =	sst s5  }
0xe: {  	[smem:$0x3F9D] =	sst s6  }
0xf: {  	[smem:$0x3F9E] =	sst s7  }
0x10: {  	[smem:$0x3F9F] =	sst s8  }
0x11: {  	[smem:$0x3FA0] =	sst s9;
	s0 =	simm.s32 @!p0 $0x0  }
0x12: {  	s1 =	sld [smem:$0x3F86];
	s0 =	simm.s32 @p0 $0x1  }
0x13: {  	[smem:$0x3FA1] =	sst s0;
	s0 =	simm.s32 @!p1 $0x0  }
0x14: {  	s2 =	sld [smem:$0x3F85];
	s0 =	simm.s32 @p1 $0x1  }
0x15: {  	[smem:$0x3FA2] =	sst s0;
	s0 =	simm.s32 @!p2 $0x0  }
0x16: {  	s3 =	sld [smem:$0x3FDB];
	s0 =	simm.s32 @p2 $0x1  }
0x17: {  	s4 =	simm.s32 $0x1BF5;
	[smem:$0x3FA4] =	sst s0  }
0x18: {  	s0 =	sld [smem:$0x3F87];
	_ =	swait.ge [sflag:s4], $0x0  }
0x19: {  	s7 =	sld [smem:$0x3F88]  }
0x1a: {  	s8 =	sadd.s32 $0xFFFFE003, lr  }
0x1b: {  	s9 =	sadd.s32 $0xFFFFFEF7, lr;
	s5 =	simm.s32 $0xFFFFFFFF;
	p2 =	slt.u32 s8, $0xFFFFF086  }
0x1c: {  	p1 =	slt.u32 s9, $0xF7A;
	s5 =	simm.s32 @!p2 $0x0  }
0x1d: {  	s5 =	simm.s32 @p1 $0x1;
	p0 =	seq.s32 s7, s2  }
0x1e: {  	s7 =	smul.u32 @!p0 $0xF7A, s2;
	p2 =	seq.s32 @!p0 s5, $0x0  }
0x1f: {  	s9 =	smul.u32 $0xF7A, s1;
	s8 =	simm.s32 @!p0 $0x1BF5;
	p2 =	por !p2, p0  }
0x20: {  	[sflag:s8] =	ssyncset.s32 @!p0 $0xFFFFF086;
	s6 =	sadd.s32 @!p0 s3, s7;
	s7 =	simm.s32 @!p0 $0x108  }
0x21: {  	s3 =	sadd.s32 s3, s9;
	s6 =	sadd.s32 @!p0 $0x88, s6;
	s7 =	simm.s32 @p2 $0x1082  }
0x22: {  	[simem:s7], [sflag:s8] =	dma.local @!p0 [hbm:s6], $0xF7A  }
0x23: {  	s9 =	sor.u32 $0xD0000000, s2;
	s6 =	simm.s32 $0x108;
	_ =	swait.ge @!p0 [sflag:s8], $0x0  }
0x24: {  	s3 =	sadd.s32 $0x88, s3;
	s6 =	simm.s32 @!p1 $0x1082;
	[sflag:s4] =	ssyncset.s32 $0xFFFFF086  }
0x25: {  	[simem:s6], [sflag:s4] =	dma.local [hbm:s3], $0xF7A  }
0x26: {  	[smem:$0x3F88] =	sst s1;
	(tag) =	ssettag s2;
	_ =	strace s9  }
0x27: {  	s1 =	sld [smem:$0x3F98]  }
0x28: {  	s2 =	sld [smem:$0x3F99]  }
0x29: {  	s4 =	sld [smem:$0x3F9B]  }
0x2a: {  	p0 =	seq.s32 s5, $0x0;
	s5 =	sld [smem:$0x3F9C]  }
0x2b: {  	s6 =	sld [smem:$0x3F9D]  }
0x2c: {  	s7 =	sld [smem:$0x3F9E]  }
0x2d: {  	s3 =	simm.s32 $0x108;
	s8 =	sld [smem:$0x3F9F]  }
0x2e: {  	s3 =	simm.s32 @!p0 $0x1082;
	s9 =	sld [smem:$0x3FA0]  }
0x2f: {  	lr =	sadd.s32 s0, s3;
	s0 =	sld [smem:$0x3F97]  }
0x30: {  	s3 =	sld [smem:$0x3F9A]  }
0x31: {  	[smem:$0x3FA3] =	sst s10  }
0x32: {  	s10 =	sld [smem:$0x3FA1];
	_ =	sdelay $0x3  }
0x33: {  	p0 =	seq.s32 s10, $0x1;
	s10 =	sld [smem:$0x3FA3];
	_ =	sdelay $0x3  }
0x34: {  	[smem:$0x3FA3] =	sst s10  }
0x35: {  	s10 =	sld [smem:$0x3FA2];
	_ =	sdelay $0x3  }
0x36: {  	p1 =	seq.s32 s10, $0x1;
	s10 =	sld [smem:$0x3FA3];
	_ =	sdelay $0x3  }
0x37: {  	[smem:$0x3FA3] =	sst s10  }
0x38: {  	s10 =	sld [smem:$0x3FA4]  }
0x39: {  	_ = 	snop;
	(pc) =	sbr.ind lr, $3  }
0x3a: {  	_ = 	snop  }
0x3b: {  	_ = 	snop  }
0x3c: {  	p2 =	seq.s32 s10, $0x1;
	s10 =	sld [smem:$0x3FA3]  }
0x3d: {  	_ =	shalt  }
0x3e: {  	_ =	shalt  }
0x3f: {  	_ =	shalt  }
0x40: {  	_ =	shalt  }
0x41: {  	_ =	shalt  }
0x42: {  	_ =	shalt  }
0x43: {  	_ =	shalt  }
0x44: {  	_ =	shalt  }
0x45: {  	_ =	shalt  }
0x46: {  	_ =	shalt  }
0x47: {  	_ =	shalt  }
0x48: {  	_ =	shalt  }
0x49: {  	_ =	shalt  }
0x4a: {  	_ =	shalt  }
0x4b: {  	_ =	shalt  }
0x4c: {  	_ =	shalt  }
0x4d: {  	_ =	shalt  }
0x4e: {  	_ =	shalt  }
0x4f: {  	_ =	shalt  }
0x50: {  	_ =	shalt  }
0x51: {  	_ =	shalt  }
0x52: {  	_ =	shalt  }
0x53: {  	_ =	shalt  }
0x54: {  	_ =	shalt  }
0x55: {  	_ =	shalt  }
0x56: {  	_ =	shalt  }
0x57: {  	_ =	shalt  }
0x58: {  	_ =	shalt  }
0x59: {  	_ =	shalt  }
0x5a: {  	_ =	shalt  }
0x5b: {  	_ =	shalt  }
0x5c: {  	_ =	shalt  }
0x5d: {  	_ =	shalt  }
0x5e: {  	_ =	shalt  }
0x5f: {  	_ =	shalt  }
0x60: {  	_ =	shalt  }
0x61: {  	_ =	shalt  }
0x62: {  	_ =	shalt  }
0x63: {  	_ =	shalt  }
0x64: {  	_ =	shalt  }
0x65: {  	_ =	shalt  }
0x66: {  	_ =	shalt  }
0x67: {  	_ =	shalt  }
0x68: {  	_ =	shalt  }
0x69: {  	_ =	shalt  }
0x6a: {  	_ =	shalt  }
0x6b: {  	_ =	shalt  }
0x6c: {  	_ =	shalt  }
0x6d: {  	_ =	shalt  }
0x6e: {  	_ =	shalt  }
0x6f: {  	_ =	shalt  }
0x70: {  	_ =	shalt  }
0x71: {  	_ =	shalt  }
0x72: {  	_ =	shalt  }
0x73: {  	_ =	shalt  }
0x74: {  	_ =	shalt  }
0x75: {  	_ =	shalt  }
0x76: {  	_ =	shalt  }
0x77: {  	_ =	shalt  }
0x78: {  	_ =	shalt  }
0x79: {  	_ =	shalt  }
0x7a: {  	_ =	shalt  }
0x7b: {  	_ =	shalt  }
0x7c: {  	_ =	shalt  }
0x7d: {  	_ =	shalt  }
0x7e: {  	_ =	shalt  }
0x7f: {  	_ =	shalt  }
0x80: {  	_ =	shalt  }
0x81: {  	_ =	shalt  }
0x82: {  	_ =	shalt  }
0x83: {  	_ =	shalt  }
0x84: {  	_ =	shalt  }
0x85: {  	_ =	shalt  }
0x86: {  	_ =	shalt  }
0x87: {  	_ =	shalt  }
.Lfunc_end0:
.L_simem_size_0:
called_computation.1_lowered:
.L_overlay_start_0:
0x88: {  	s2 =	sld [smem:$0x3FD9]  }
0x89: {  	s3 =	sld [smem:$0x3FFE];
	_ =	sdelay $0x1  }
0x8a: {  	s1 =	srdreg.scid  }
0x8b: {  	s0 =	sand.u32 $0x1, s1  }
0x8c: {  	s15 =	sshll.u32 s0, $0xA;
	s2 =	sadd.s32 s3, s2  }
0x8d: {  	s2 =	sadd.s32 s2, s15  }
0x8e: {  	[smem:$0x3FAF] =	sst s2  }
0x8f: {  	_ = 	snop  }
0x90: {  	s2 =	sld [smem:$0x3FD0];
	_ =	sdelay $0x2  }
0x91: {  	s16 =	simm.s32 $0xB;
	s4 =	simm.s32 $0x10  }
0x92: {  	[smem:s4], [sflag:s16] =	dma.local [hbm:s2], $0x1  }
0x93: {  	_ =	swait.eq [sflag:s16], $0x1  }
0x94: {  	[sflag:s16] =	ssyncset.done $0x0  }
0x95: {  	[sflag:s16] =	ssyncadd.s32 $0xFFFFFFFF  }
0x96: {  	s17 =	sld [smem:$0x11];
	(tm) =	ssettm $0x1  }
0x97: {  	s18 =	sld [smem:$0x3FFB];
	_ =	sdelay $0x3  }
0x98: {  	_ =	strace s18  }
0x99: {  	s2 =	sld [smem:$0x3FFC];
	_ =	sdelay $0x3  }
0x9a: {  	_ =	strace s2  }
0x9b: {  	s2 =	sld [smem:$0x3FFD];
	_ =	sdelay $0x3  }
0x9c: {  	_ =	strace s2  }
0x9d: {  	_ =	strace $0x8FFFFFFF  }
0x9e: {  	s19 =	sld [smem:$0x3FDB];
	_ =	sdelay $0x1  }
0x9f: {  	s20 =	simm.s32 $_scs_section_size  }
0xa0: {  	s5 =	simm.s32 $_size__tile_overlayer_lowered;
	s6 =	simm.s32 $_tile_overlayer_lowered  }
0xa1: {  	s7 =	simm.s32 $0x1BFF;
	s21 =	sshll.u32 s6, $0x1;
	s4 =	sadd.s32 s20, s19  }
0xa2: {  	s22 =	simm.s32 $0x0;
	s5 =	sshll.u32 s5, $0x1;
	s6 =	sadd.s32 s21, s4  }
0xa3: {  	[timem:s22], [sflag:s7] =	dma.local [hbm:s6], s5  }
0xa4: {  	_ =	swait.ge [sflag:s7], s5  }
0xa5: {  	s5 =	ssub.s32 $0x0, s5;
	[sflag:s7] =	ssyncset.done $0x0  }
0xa6: {  	[sflag:s7] =	ssyncadd.s32 s5;
	_ =	sdelay $0x1  }
0xa7: {  	s23 =	simm.s32 $0x1B8B  }
0xa8: {  	_ =	swait.ge [sflag:s23], $0x1  }
0xa9: {  	[sflag:s23] =	ssyncset.done $0x0  }
0xaa: {  	[sflag:s23] =	ssyncadd.s32 $0xFFFFFFFF  }
0xab: {  	s5 =	sld [smem:$0x0]  }
0xac: {  	s6 =	sand.u32 $0xFFFFFFFE, s1  }
0xad: {  	p0 =	sne.s32 s1, s6  }
0xae: {  	s6 =	sshll.u32 @p0 s6, $0xE  }
0xaf: {  	s6 =	sadd.s32 @p0 $0x11B8D, s6;
	s7 =	sshll.u32 @p0 s5, $0x11  }
0xb0: {  	s6 =	sor.u32 @p0 s7, s6  }
0xb1: {  	[sflag:s6] =	ssyncadd.remote.s32 @p0 $0x1;
	_ =	sdelay $0x1  }
0xb2: {  	s6 =	simm.s32 @p0 $0x1B8D  }
0xb3: {  	_ =	swait.eq @p0 [sflag:s6], $0x1  }
0xb4: {  	[sflag:s6] =	ssyncadd.s32 @p0 $0xFFFFFFFF  }
0xb5: {  	s7 =	sshll.u32 @!p0 s1, $0xE  }
0xb6: {  	s7 =	sor.u32 @!p0 $0x4000, s7;
	s6 =	simm.s32 @!p0 $0x1B8D  }
0xb7: {  	s5 =	sshll.u32 @!p0 s5, $0x11;
	s7 =	sadd.s32 @!p0 $0x11B8D, s7;
	_ =	swait.eq @!p0 [sflag:s6], $0x1  }
0xb8: {  	s5 =	sor.u32 @!p0 s5, s7;
	[sflag:s6] =	ssyncadd.s32 @!p0 $0xFFFFFFFF  }
0xb9: {  	s25 =	simm.s32 $0x1B8E;
	s24 =	sld [smem:$0x3FFE];
	[sflag:s5] =	ssyncadd.remote.s32 @!p0 $0x1  }
0xba: {  	s26 =	simm.s32 $execute0_lowered;
	[smem:$0x3FD2] =	sst s25  }
0xbb: {  	s6 =	sshll.u32 s26, $0x1;
	_ =	strace $0x8000004C;
	[dreg:$0x1] =	wrdreg $0xFFFFFFFF  }
0xbc: {  	s28 =	simm.s32 $_size_execute0_lowered;
	s4 =	sadd.s32 s4, s6;
	[dreg:$0x0] =	wrdreg $0x0  }
0xbd: {  	s6 =	sshll.u32 s28, $0x1;
	[dreg:$0x2] =	wrdreg s4  }
0xbe: {  	[dreg:$0x3] =	wrdreg s6  }
0xbf: {  	[dreg:$0x4] =	wrdreg $0xC0  }
0xc0: {  	_ =	task [dreg:s22], $0x5FFFF  }
0xc1: {  	[dreg:$0x1] =	wrdreg $0xFFFFFFFF  }
0xc2: {  	[dreg:$0x0] =	wrdreg $0x60  }
0xc3: {  	[dreg:$0x2] =	wrdreg s24  }
0xc4: {  	[dreg:$0x3] =	wrdreg s17  }
0xc5: {  	[dreg:$0x4] =	wrdreg $0x9  }
0xc6: {  	_ =	task.clear_ibuf [dreg:s22], $0x5FFFF;
	_ =	strace $0x9000004C  }
0xc7: {  	s29 =	simm.s32 $0x9;
	_ =	strace $0x8000004E  }
0xc8: {  	_ =	swait.ge [sflag:s29], $0x1  }
0xc9: {  	[sflag:s29] =	ssyncadd.s32 $0xFFFFFFFF  }
0xca: {  	_ =	strace $0x9000004E  }
0xcb: {  	_ =	sfence  }
0xcc: {  	s30 =	sld [smem:$0x0];
	_ =	sdelay $0x2  }
0xcd: {  	s31 =	sshll.u32 s1, $0xD;
	s1 =	sshrl.u32 s1, $0x2  }
0xce: {  	s4 =	sand.u32 $0x4000, s31;
	s1 =	sadd.s32 s1, s30  }
0xcf: {  	s0 =	sor.u32 s4, s0;
	s1 =	sshll.u32 s1, $0x11  }
0xd0: {  	s0 =	sor.u32 s1, s0  }
0xd1: {  	s0 =	sadd.s32 $0x8F2B, s0  }
0xd2: {  	[sflag:s0] =	ssyncadd.remote.s32 $0x1  }
0xd3: {  	_ =	sfence.sel $0xFFFF  }
0xd4: {  	[dreg:$0x0] =	wrdreg $0xFFFFFFFF;
	(pc) =	sbr.abs _section_cstart, $3  }
0xd5: {  	[dreg:$0x1] =	wrdreg $0xFFFFFFFF  }
0xd6: {  	_ =	task.clear_ibuf [dreg:s22], $0x2FFFF;
	_ =	strace $0x9FFFFFFF  }
0xd7: {  	(tm) =	ssettm $0x7FFFFFFF  }
tec
execute0_lowered:
.L_overlay_start_1:
0x0: {  	(tag) =	ssettag $0x1  }
0x1: {  	s7 =	rddreg [dreg:$0x0]  }
0x2: {  	s2 =	rddreg [dreg:$0x1]  }
0x3: {  	s0 =	rddreg [dreg:$0x2]  }
0x4: {  	s1 =	srdreg.scid;
	_ =	strace $0x8000004D;
	s4 =	simm.s32 $0x1  }
0x5: {  	s9 =	simm.s32 $0x3;
	s11 =	simm.s32 $0x0;
	s5 =	sshll.u32 s1, $0x4  }
.Ltmp0:
0x6: {  	s1 =	stileid.u32;
	s5 =	sand.u32 $0x10, s5;
	(pc) =	sbr.rel .LBB2_1-.Ltmp0, $4  }
0x7: {  	p0 =	por $0x0, $0x0;
	s3 =	sadd.s32 $0x1A00, s7;
	s6 =	sor.u32 s1, s5  }
0x8: {  	[sflag:s4] =	ssyncpa.u1 $0x0;
	s5 =	simm.s32 $0x2;
	s6 =	sshll.u32 s6, $0x9  }
0x9: {  	s7 =	sadd.s32 $0x91A00, s7;
	[sflag:s5] =	ssyncpa.u1 $0x0;
	s8 =	sadd.s32 $0x200, s6  }
0xa: {  	vm0 =	vmmov $0xff;
	vm1 =	vcmask $0x3F20;
	[sflag:s9] =	ssyncpa.u1 $0x0;
	s10 =	smov.u32 s6;
	s9 =	simm.s32 $0x0  }
.LBB2_7:
0xb: {  	p1 =	slt.u32 s9, $0x2;
	s11 =	sadd.s32 $0x100, s10  }
0xc: {  	s13 =	smov.u32 s6;
	s9 =	sadd.s32 $0x1, s9;
	p2 =	slt.s32 s11, s8  }
0xd: {  	s13 =	smov.u32 @p2 s11;
	p2 =	sne.s32 s9, $0x4  }
.Ltmp1:
0xe: {  	_ = 	snop;
	(pc) =	sbr.rel @!p2 .LBB2_8-.Ltmp1, $4  }
0xf: {  	s12 =	simm.s32 @!p1 $0x3  }
0x10: {  	_ =	swait.ge @!p1 [sflag:s12], $0x8000  }
0x11: {  	p0 =	por !p0, !p0;
	[sflag:s12] =	ssyncset.done @!p1 $0x0  }
0x12: {  	s11 =	smov.u32 s10;
	s10 =	smov.u32 s13;
	[sflag:s12] =	ssyncadd.s32 @!p1 $0xFFFF8000  }
.LBB2_1:
0x13: {  	p1 =	sgt.u32 s9, $0x1  }
0x14: {  	s12 =	sshll.u32 @!p1 s9, $0x8;
	s13 =	sshrl.u32 @!p1 s10, $0x3  }
0x15: {  	s14 =	sand.u32 @!p1 $0x7, s10;
	s12 =	sxor.u32 @!p1 $0x100, s12;
	s13 =	sadd.s32 @!p1 s2, s13  }
0x16: {  	[tilespmem:s12], [sflag:$0x2] =	stream.linear.gather @!p1 [hbm4b:s13+s14], $0x100, $0x38;
	[tilespmem:$0x10200] =	vst v63  }
0x17: {  	p1 =	seq.s32 s9, $0x0  }
0x18: {  	p2 =	seq.s32 @!p1 s9, $0x3  }
0x19: {  	p1 =	por p1, p2  }
.Ltmp2:
0x1a: {  	_ = 	snop;
	(pc) =	sbr.rel @p1 .LBB2_7-.Ltmp2, $1  }
0x1b: {  	_ =	sdelay $0x3  }
0x1c: {  	s12 =	simm.s32 $0x1  }
0x1d: {  	_ =	swait.ge [sflag:s5], $0x100;
	s12 =	simm.s32 @!p0 $0x0  }
0x1e: {  	[sflag:s5] =	ssyncset.done $0x0;
	s14 =	sshll.u32 s12, $0x8  }
0x1f: {  	[sflag:s5] =	ssyncadd.s32 $0xFFFFFF00;
	s13 =	sadd.s32 $0x0, s14  }
0x20: {  	v0 =	vld.msk [tilespmem:s13+$0x0 ss:$0x1], $0xffff;
	_ =	sdelay $0x4  }
0x21: {  	vm2 =	vgt.s32 v0, $0x0  }
0x22: {  	v0 =	vnsel vm2, $0x0, v0  }
0x23: {  	v0 =	vmin.u32 v0, $0x3FFF  }
0x24: {  	v0 =	vshll.u32 v0, $0x4;
	_ =	sdelay $0x2  }
0x25: {  	s12 =	sshll.u32 s12, $0xF  }
0x26: {  	s12 =	sor.u32 $0x200, s12  }
0x27: {  	[tilespmem:s12], [sflag:$0x1] =	stream.indirect_vreg.gather [hbm:s3], $0x80, v0, vm0, $0x38;
	[tilespmem:$0x10200] =	vst v63  }
0x28: {  	s15 =	sadd.s32 $0x10, s14;
	s13 =	sadd.s32 $0x400, s12  }
0x29: {  	[tilespmem:s13], [sflag:$0x1] =	stream.indirect_vreg.gather [hbm:s3], $0x80, v0, vm1, $0x38;
	[tilespmem:$0x10200] =	vst v63  }
0x2a: {  	s16 =	simm.s32 $0x80;
	v0 =	vld.msk [tilespmem:s15+$0x0 ss:$0x1], $0xffff;
	s15 =	smov.u32 s12  }
.LBB2_3:
0x2b: {  	p1 =	sne.s32 s16, $0x3C0;
	_ =	sdelay $0x4  }
0x2c: {  	vm2 =	vgt.s32 v0, $0x0  }
0x2d: {  	v0 =	vnsel vm2, $0x0, v0  }
0x2e: {  	v0 =	vmin.u32 v0, $0x3FFF  }
0x2f: {  	v0 =	vshll.u32 v0, $0x4;
	_ =	sdelay $0x3  }
.Ltmp3:
0x30: {  	s17 =	sshra.s32 s16, $0x2;
	s15 =	sadd.s32 $0x800, s15;
	(pc) =	sbr.rel @p1 .LBB2_3-.Ltmp3, $4  }
0x31: {  	[tilespmem:s15], [sflag:$0x1] =	stream.indirect_vreg.gather [hbm:s3], $0x80, v0, vm0, $0x38;
	[tilespmem:$0x10200] =	vst v63  }
0x32: {  	s17 =	sadd.s32 s17, s14;
	s18 =	sadd.s32 $0x400, s15  }
0x33: {  	[tilespmem:s18], [sflag:$0x1] =	stream.indirect_vreg.gather [hbm:s3], $0x80, v0, vm1, $0x38;
	[tilespmem:$0x10200] =	vst v63  }
0x34: {  	s16 =	sadd.s32 $0x40, s16;
	v0 =	vld.msk [tilespmem:s17+$0x0 ss:$0x1], $0xffff  }
0x35: {  	_ =	sdelay $0x3  }
0x36: {  	vm2 =	vgt.s32 v0, $0x0  }
0x37: {  	v0 =	vnsel vm2, $0x0, v0  }
0x38: {  	v0 =	vmin.u32 v0, $0x3FFF  }
0x39: {  	v0 =	vshll.u32 v0, $0x4;
	_ =	sdelay $0x3  }
0x3a: {  	s14 =	sadd.s32 $0x800, s15  }
0x3b: {  	[tilespmem:s14], [sflag:$0x1] =	stream.indirect_vreg.gather [hbm:s3], $0x80, v0, vm0, $0x38;
	[tilespmem:$0x10200] =	vst v63  }
0x3c: {  	s14 =	sadd.s32 $0x400, s14  }
0x3d: {  	[tilespmem:s14], [sflag:$0x1] =	stream.indirect_vreg.gather [hbm:s3], $0x80, v0, vm1, $0x38;
	[tilespmem:$0x10200] =	vst v63  }
0x3e: {  	s11 =	sshll.u32 s11, $0x4;
	_ =	swait.ge [sflag:s4], $0x8000  }
0x3f: {  	s11 =	sadd.s32 s11, s7;
	[sflag:s4] =	ssyncset.done $0x0  }
0x40: {  	s15 =	sadd.s32 $0x0, s11;
	s14 =	simm.s32 $0x80;
	[sflag:s4] =	ssyncadd.s32 $0xFFFF8000  }
.LBB2_5:
0x41: {  	[hbm:s15] =	stream.linear.scatter [tilespmem:s12], [sflag:$0x3], $0x400, $0x38;
	[tilespmem:$0x10200] =	vst v63  }
0x42: {  	s15 =	smov.u32 s14;
	s12 =	smov.u32 s13;
	p1 =	sne.s32 s14, $0xF80  }
.Ltmp4:
0x43: {  	s14 =	sadd.s32 $0x80, s14;
	(pc) =	sbr.rel @p1 .LBB2_5-.Ltmp4, $2  }
0x44: {  	_ =	sdelay $0x2  }
0x45: {  	s13 =	sadd.s32 $0x400, s13;
	s15 =	sadd.s32 s15, s11  }
.Ltmp5:
0x46: {  	(pc) =	sbr.rel .LBB2_7-.Ltmp5, $2  }
0x47: {  	_ =	sdelay $0x2  }
0x48: {  	[hbm:s15] =	stream.linear.scatter [tilespmem:s12], [sflag:$0x3], $0x400, $0x38;
	[tilespmem:$0x10200] =	vst v63  }
.LBB2_8:
0x49: {  	_ =	sfence.sel $0x180000  }
0x4a: {  	s2 =	simm.s32 $0x2;
	[bflag:$0x0] =	sbarrier.arrive $0xFFFF  }
0x4b: {  	s30 =	simm.s32 $0x3;
	[sflag:s2] =	ssyncpa.u1 $0x1  }
0x4c: {  	s31 =	simm.s32 $0x1;
	[sflag:s30] =	ssyncpa.u1 $0x1  }
0x4d: {  	[sflag:s31] =	ssyncpa.u1 $0x1  }
0x4e: {  	p0 =	sne.s32 s1, $0x0;
	_ =	strace $0x9000004D  }
0x4f: {  	s0 =	sadd.s32 @!p0 $0x100000, s0;
	[bflag:$0x2] =	sbarrier.arrive $0xFFFF  }
0x50: {  	[sflag:s0] =	ssyncadd.tile.s32 @!p0 $0x1;
	_ =	shalt  }
.Lfunc_end2:
_tile_overlayer_lowered:
.L_overlay_start_2:
0x51: {  	(tag) =	ssettag $0x2  }
0x52: {  	s0 =	rddreg [dreg:$0x0];
	s2 =	stileid.u32  }
0x53: {  	s1 =	rddreg [dreg:$0x1];
	p0 =	sne.s32 s2, $0x0  }
0x54: {  	s3 =	rddreg [dreg:$0x2];
	[bflag:$0x3] =	sbarrier.arrive $0xFFFF;
	s2 =	simm.s32 @!p0 $0x1C01  }
0x55: {  	[timem:s3], [sflag:s2] =	dma.local @!p0 [hbm:s0], s1  }
0x56: {  	s0 =	simm.s32 @!p0 $0x1  }
0x57: {  	_ =	swait.ge @!p0 [sflag:s0], s1  }
0x58: {  	s1 =	ssub.s32 @!p0 $0x0, s1;
	[sflag:s0] =	ssyncset.done @!p0 $0x0  }
0x59: {  	[sflag:s0] =	ssyncadd.s32 @!p0 s1  }
0x5a: {  	[bflag:$0x3] =	sbarrier.arrive $0xFFFF  }
0x5b: {  	_ =	shalt  }

// kernel: kernel.6.cloned.1.call-start
scs
__scs_entry_jumppad:
0x0: {  	(pc) =	sbr.rel $0x88, $3  }
0x1: {  	(tag) =	ssettag $0x0;
	lr =	simm.s32 $0x1  }
0x2: {  	[smem:$0x3F88] =	sst lr;
	_ =	strace $0xD0000000  }
0x3: {  	_ = 	snop  }
0x4: {  	_ = 	snop  }
0x5: {  	_ = 	snop  }
0x6: {  	_ = 	snop  }
0x7: {  	_ = 	snop  }
__scs_overlays_trampoline_lowered:
0x8: {  	[smem:$0x3F97] =	sst s0  }
0x9: {  	[smem:$0x3F98] =	sst s1  }
0xa: {  	[smem:$0x3F99] =	sst s2  }
0xb: {  	[smem:$0x3F9A] =	sst s3  }
0xc: {  	[smem:$0x3F9B] =	sst s4  }
0xd: {  	[smem:$0x3F9C] =	sst s5  }
0xe: {  	[smem:$0x3F9D] =	sst s6  }
0xf: {  	[smem:$0x3F9E] =	sst s7  }
0x10: {  	[smem:$0x3F9F] =	sst s8  }
0x11: {  	[smem:$0x3FA0] =	sst s9;
	s0 =	simm.s32 @!p0 $0x0  }
0x12: {  	s1 =	sld [smem:$0x3F86];
	s0 =	simm.s32 @p0 $0x1  }
0x13: {  	[smem:$0x3FA1] =	sst s0;
	s0 =	simm.s32 @!p1 $0x0  }
0x14: {  	s2 =	sld [smem:$0x3F85];
	s0 =	simm.s32 @p1 $0x1  }
0x15: {  	[smem:$0x3FA2] =	sst s0;
	s0 =	simm.s32 @!p2 $0x0  }
0x16: {  	s3 =	sld [smem:$0x3FDB];
	s0 =	simm.s32 @p2 $0x1  }
0x17: {  	s4 =	simm.s32 $0x1BF5;
	[smem:$0x3FA4] =	sst s0  }
0x18: {  	s0 =	sld [smem:$0x3F87];
	_ =	swait.ge [sflag:s4], $0x0  }
0x19: {  	s7 =	sld [smem:$0x3F88]  }
0x1a: {  	s8 =	sadd.s32 $0xFFFFE003, lr  }
0x1b: {  	s9 =	sadd.s32 $0xFFFFFEF7, lr;
	s5 =	simm.s32 $0xFFFFFFFF;
	p2 =	slt.u32 s8, $0xFFFFF086  }
0x1c: {  	p1 =	slt.u32 s9, $0xF7A;
	s5 =	simm.s32 @!p2 $0x0  }
0x1d: {  	s5 =	simm.s32 @p1 $0x1;
	p0 =	seq.s32 s7, s2  }
0x1e: {  	s7 =	smul.u32 @!p0 $0xF7A, s2;
	p2 =	seq.s32 @!p0 s5, $0x0  }
0x1f: {  	s9 =	smul.u32 $0xF7A, s1;
	s8 =	simm.s32 @!p0 $0x1BF5;
	p2 =	por !p2, p0  }
0x20: {  	[sflag:s8] =	ssyncset.s32 @!p0 $0xFFFFF086;
	s6 =	sadd.s32 @!p0 s3, s7;
	s7 =	simm.s32 @!p0 $0x108  }
0x21: {  	s3 =	sadd.s32 s3, s9;
	s6 =	sadd.s32 @!p0 $0x88, s6;
	s7 =	simm.s32 @p2 $0x1082  }
0x22: {  	[simem:s7], [sflag:s8] =	dma.local @!p0 [hbm:s6], $0xF7A  }
0x23: {  	s9 =	sor.u32 $0xD0000000, s2;
	s6 =	simm.s32 $0x108;
	_ =	swait.ge @!p0 [sflag:s8], $0x0  }
0x24: {  	s3 =	sadd.s32 $0x88, s3;
	s6 =	simm.s32 @!p1 $0x1082;
	[sflag:s4] =	ssyncset.s32 $0xFFFFF086  }
0x25: {  	[simem:s6], [sflag:s4] =	dma.local [hbm:s3], $0xF7A  }
0x26: {  	[smem:$0x3F88] =	sst s1;
	(tag) =	ssettag s2;
	_ =	strace s9  }
0x27: {  	s1 =	sld [smem:$0x3F98]  }
0x28: {  	s2 =	sld [smem:$0x3F99]  }
0x29: {  	s4 =	sld [smem:$0x3F9B]  }
0x2a: {  	p0 =	seq.s32 s5, $0x0;
	s5 =	sld [smem:$0x3F9C]  }
0x2b: {  	s6 =	sld [smem:$0x3F9D]  }
0x2c: {  	s7 =	sld [smem:$0x3F9E]  }
0x2d: {  	s3 =	simm.s32 $0x108;
	s8 =	sld [smem:$0x3F9F]  }
0x2e: {  	s3 =	simm.s32 @!p0 $0x1082;
	s9 =	sld [smem:$0x3FA0]  }
0x2f: {  	lr =	sadd.s32 s0, s3;
	s0 =	sld [smem:$0x3F97]  }
0x30: {  	s3 =	sld [smem:$0x3F9A]  }
0x31: {  	[smem:$0x3FA3] =	sst s10  }
0x32: {  	s10 =	sld [smem:$0x3FA1];
	_ =	sdelay $0x3  }
0x33: {  	p0 =	seq.s32 s10, $0x1;
	s10 =	sld [smem:$0x3FA3];
	_ =	sdelay $0x3  }
0x34: {  	[smem:$0x3FA3] =	sst s10  }
0x35: {  	s10 =	sld [smem:$0x3FA2];
	_ =	sdelay $0x3  }
0x36: {  	p1 =	seq.s32 s10, $0x1;
	s10 =	sld [smem:$0x3FA3];
	_ =	sdelay $0x3  }
0x37: {  	[smem:$0x3FA3] =	sst s10  }
0x38: {  	s10 =	sld [smem:$0x3FA4]  }
0x39: {  	_ = 	snop;
	(pc) =	sbr.ind lr, $3  }
0x3a: {  	_ = 	snop  }
0x3b: {  	_ = 	snop  }
0x3c: {  	p2 =	seq.s32 s10, $0x1;
	s10 =	sld [smem:$0x3FA3]  }
0x3d: {  	_ =	shalt  }
0x3e: {  	_ =	shalt  }
0x3f: {  	_ =	shalt  }
0x40: {  	_ =	shalt  }
0x41: {  	_ =	shalt  }
0x42: {  	_ =	shalt  }
0x43: {  	_ =	shalt  }
0x44: {  	_ =	shalt  }
0x45: {  	_ =	shalt  }
0x46: {  	_ =	shalt  }
0x47: {  	_ =	shalt  }
0x48: {  	_ =	shalt  }
0x49: {  	_ =	shalt  }
0x4a: {  	_ =	shalt  }
0x4b: {  	_ =	shalt  }
0x4c: {  	_ =	shalt  }
0x4d: {  	_ =	shalt  }
0x4e: {  	_ =	shalt  }
0x4f: {  	_ =	shalt  }
0x50: {  	_ =	shalt  }
0x51: {  	_ =	shalt  }
0x52: {  	_ =	shalt  }
0x53: {  	_ =	shalt  }
0x54: {  	_ =	shalt  }
0x55: {  	_ =	shalt  }
0x56: {  	_ =	shalt  }
0x57: {  	_ =	shalt  }
0x58: {  	_ =	shalt  }
0x59: {  	_ =	shalt  }
0x5a: {  	_ =	shalt  }
0x5b: {  	_ =	shalt  }
0x5c: {  	_ =	shalt  }
0x5d: {  	_ =	shalt  }
0x5e: {  	_ =	shalt  }
0x5f: {  	_ =	shalt  }
0x60: {  	_ =	shalt  }
0x61: {  	_ =	shalt  }
0x62: {  	_ =	shalt  }
0x63: {  	_ =	shalt  }
0x64: {  	_ =	shalt  }
0x65: {  	_ =	shalt  }
0x66: {  	_ =	shalt  }
0x67: {  	_ =	shalt  }
0x68: {  	_ =	shalt  }
0x69: {  	_ =	shalt  }
0x6a: {  	_ =	shalt  }
0x6b: {  	_ =	shalt  }
0x6c: {  	_ =	shalt  }
0x6d: {  	_ =	shalt  }
0x6e: {  	_ =	shalt  }
0x6f: {  	_ =	shalt  }
0x70: {  	_ =	shalt  }
0x71: {  	_ =	shalt  }
0x72: {  	_ =	shalt  }
0x73: {  	_ =	shalt  }
0x74: {  	_ =	shalt  }
0x75: {  	_ =	shalt  }
0x76: {  	_ =	shalt  }
0x77: {  	_ =	shalt  }
0x78: {  	_ =	shalt  }
0x79: {  	_ =	shalt  }
0x7a: {  	_ =	shalt  }
0x7b: {  	_ =	shalt  }
0x7c: {  	_ =	shalt  }
0x7d: {  	_ =	shalt  }
0x7e: {  	_ =	shalt  }
0x7f: {  	_ =	shalt  }
0x80: {  	_ =	shalt  }
0x81: {  	_ =	shalt  }
0x82: {  	_ =	shalt  }
0x83: {  	_ =	shalt  }
0x84: {  	_ =	shalt  }
0x85: {  	_ =	shalt  }
0x86: {  	_ =	shalt  }
0x87: {  	_ =	shalt  }
.Lfunc_end0:
.L_simem_size_0:
called_computation.2_lowered:
.L_overlay_start_0:
0x88: {  	s2 =	sld [smem:$0x3FD9]  }
0x89: {  	s3 =	sld [smem:$0x3FFE];
	_ =	sdelay $0x1  }
0x8a: {  	s1 =	srdreg.scid  }
0x8b: {  	s0 =	sand.u32 $0x1, s1  }
0x8c: {  	s14 =	sshll.u32 s0, $0xA;
	s2 =	sadd.s32 s3, s2  }
0x8d: {  	s2 =	sadd.s32 s2, s14  }
0x8e: {  	[smem:$0x3FAF] =	sst s2  }
0x8f: {  	_ = 	snop  }
0x90: {  	s2 =	sld [smem:$0x3FD0];
	_ =	sdelay $0x2  }
0x91: {  	s15 =	simm.s32 $0xB;
	s4 =	simm.s32 $0x10  }
0x92: {  	[smem:s4], [sflag:s15] =	dma.local [hbm:s2], $0x1  }
0x93: {  	_ =	swait.eq [sflag:s15], $0x1  }
0x94: {  	[sflag:s15] =	ssyncset.done $0x0  }
0x95: {  	[sflag:s15] =	ssyncadd.s32 $0xFFFFFFFF  }
0x96: {  	s16 =	sld [smem:$0x10];
	(tm) =	ssettm $0x1  }
0x97: {  	s17 =	sld [smem:$0x3FFB];
	_ =	sdelay $0x3  }
0x98: {  	_ =	strace s17  }
0x99: {  	s3 =	sld [smem:$0x3FFC];
	_ =	sdelay $0x3  }
0x9a: {  	_ =	strace s3  }
0x9b: {  	s3 =	sld [smem:$0x3FFD];
	_ =	sdelay $0x3  }
0x9c: {  	_ =	strace s3  }
0x9d: {  	_ =	strace $0x8FFFFFFF  }
0x9e: {  	s18 =	sld [smem:$0x3FDB];
	_ =	sdelay $0x1  }
0x9f: {  	s19 =	simm.s32 $_scs_section_size  }
0xa0: {  	s5 =	simm.s32 $_size__tile_overlayer_lowered;
	s6 =	simm.s32 $_tile_overlayer_lowered  }
0xa1: {  	s22 =	simm.s32 $0x1BFF;
	s21 =	sshll.u32 s6, $0x1;
	s3 =	sadd.s32 s19, s18  }
0xa2: {  	s7 =	simm.s32 $0x0;
	s20 =	sshll.u32 s5, $0x1;
	s5 =	sadd.s32 s21, s3  }
0xa3: {  	[timem:s7], [sflag:s22] =	dma.local [hbm:s5], s20  }
0xa4: {  	_ =	swait.ge [sflag:s22], s20  }
0xa5: {  	s4 =	ssub.s32 $0x0, s20;
	[sflag:s22] =	ssyncset.done $0x0  }
0xa6: {  	[sflag:s22] =	ssyncadd.s32 s4;
	_ =	sdelay $0x1  }
0xa7: {  	s23 =	simm.s32 $0x1B8B  }
0xa8: {  	_ =	swait.ge [sflag:s23], $0x1  }
0xa9: {  	[sflag:s23] =	ssyncset.done $0x0  }
0xaa: {  	s25 =	simm.s32 $0x1B8E;
	s24 =	sld [smem:$0x3FFE];
	[sflag:s23] =	ssyncadd.s32 $0xFFFFFFFF  }
0xab: {  	s26 =	simm.s32 $execute0_lowered;
	[smem:$0x3FD2] =	sst s25  }
0xac: {  	s5 =	sshll.u32 s26, $0x1;
	_ =	strace $0x80000049;
	[dreg:$0x1] =	wrdreg $0xFFFFFFFF  }
0xad: {  	s28 =	simm.s32 $_size_execute0_lowered;
	s3 =	sadd.s32 s3, s5;
	[dreg:$0x0] =	wrdreg $0x0  }
0xae: {  	s5 =	sshll.u32 s28, $0x1;
	[dreg:$0x2] =	wrdreg s3  }
0xaf: {  	[dreg:$0x3] =	wrdreg s5  }
0xb0: {  	[dreg:$0x4] =	wrdreg $0xC0  }
0xb1: {  	_ =	task [dreg:s7], $0x5FFFF  }
0xb2: {  	[dreg:$0x1] =	wrdreg $0xFFFFFFFF  }
0xb3: {  	[dreg:$0x0] =	wrdreg $0x60  }
0xb4: {  	[dreg:$0x2] =	wrdreg s24  }
0xb5: {  	[dreg:$0x3] =	wrdreg s16  }
0xb6: {  	[dreg:$0x4] =	wrdreg $0xA  }
0xb7: {  	_ =	task.clear_ibuf [dreg:s7], $0x5FFFF;
	_ =	strace $0x90000049  }
0xb8: {  	s29 =	simm.s32 $0xA;
	_ =	strace $0x8000004B  }
0xb9: {  	_ =	swait.ge [sflag:s29], $0x1  }
0xba: {  	[sflag:s29] =	ssyncadd.s32 $0xFFFFFFFF  }
0xbb: {  	_ =	strace $0x9000004B  }
0xbc: {  	_ =	sfence  }
0xbd: {  	s30 =	sld [smem:$0x0];
	_ =	sdelay $0x2  }
0xbe: {  	s31 =	sshll.u32 s1, $0xD;
	s1 =	sshrl.u32 s1, $0x2  }
0xbf: {  	s3 =	sand.u32 $0x4000, s31;
	s1 =	sadd.s32 s1, s30  }
0xc0: {  	s0 =	sor.u32 s3, s0;
	s1 =	sshll.u32 s1, $0x11  }
0xc1: {  	s0 =	sor.u32 s1, s0  }
0xc2: {  	s0 =	sadd.s32 $0x8F2B, s0  }
0xc3: {  	[sflag:s0] =	ssyncadd.remote.s32 $0x1  }
0xc4: {  	_ =	sfence.sel $0xFFFF  }
0xc5: {  	[dreg:$0x0] =	wrdreg $0xFFFFFFFF;
	(pc) =	sbr.abs _section_cstart, $3  }
0xc6: {  	[dreg:$0x1] =	wrdreg $0xFFFFFFFF  }
0xc7: {  	_ =	task.clear_ibuf [dreg:s7], $0x2FFFF;
	_ =	strace $0x9FFFFFFF  }
0xc8: {  	(tm) =	ssettm $0x7FFFFFFF  }
0xc9: {  	_ =	shalt  }
tec
execute0_lowered:
.L_overlay_start_1:
0x0: {  	(tag) =	ssettag $0x1  }
0x1: {  	s1 =	srdreg.scid  }
0x2: {  	s14 =	rddreg [dreg:$0x0];
	s0 =	stileid.u32;
	s15 =	sand.u32 $0x1, s1  }
0x3: {  	s3 =	rddreg [dreg:$0x1];
	s4 =	sshll.u32 s0, $0xA;
	s5 =	sshll.u32 s15, $0x9  }
0x4: {  	s2 =	simm.s32 $0x0;
	s1 =	rddreg [dreg:$0x2];
	s16 =	sor.u32 s5, s4  }
0x5: {  	[smem:$0x7FF] =	sst s2;
	s4 =	sshrl.u32 s16, $0x3  }
0x6: {  	_ =	strace $0x8000004A;
	s4 =	sadd.s32 s3, s4;
	s3 =	simm.s32 $0x2  }
0x7: {  	[tilespmem:s2], [sflag:$0x2] =	stream.linear.gather [hbm4b:s4+s2], $0x200, $0x38;
	[tilespmem:$0x2200] =	vst v63  }
0x8: {  	_ =	swait.ge [sflag:s3], $0x200  }
0x9: {  	s6 =	simm.s32 $0x80;
	[sflag:s3] =	ssyncset.done $0x0  }
0xa: {  	s7 =	simm.s32 $0x200;
	s5 =	sadd.s32 $0x81A00, s14;
	[sflag:s3] =	ssyncadd.s32 $0xFFFFFE00  }
0xb: {  	[tilespmem:s7], [sflag:$0x1] =	stream.indirect.gather [hbm4b:s5+s6], $0x10, s2, s6, $0xb8;
	[tilespmem:$0x2200] =	vst v63  }
0xc: {  	s8 =	simm.s32 $0xA00  }
0xd: {  	[tilespmem:s8], [sflag:$0x1] =	stream.indirect.gather [hbm4b:s5+s6], $0x10, s6, s6, $0xb8;
	[tilespmem:$0x2200] =	vst v63  }
0xe: {  	s9 =	simm.s32 $0x100;
	s10 =	simm.s32 $0x1200  }
0xf: {  	[tilespmem:s10], [sflag:$0x1] =	stream.indirect.gather [hbm4b:s5+s6], $0x10, s9, s6, $0xb8;
	[tilespmem:$0x2200] =	vst v63  }
0x10: {  	s11 =	simm.s32 $0x180;
	s12 =	simm.s32 $0x1A00;
	s13 =	simm.s32 $0x1  }
0x11: {  	[tilespmem:s12], [sflag:$0x1] =	stream.indirect.gather [hbm4b:s5+s6], $0x10, s11, s6, $0xb8;
	[tilespmem:$0x2200] =	vst v63  }
0x12: {  	_ =	swait.ge [sflag:s13], $0x800  }
0x13: {  	[sflag:s13] =	ssyncset.done $0x0  }
0x14: {  	[sflag:s13] =	ssyncadd.s32 $0xFFFFF800  }
0x15: {  	_ =	swait.ge [sflag:s13], $0x800  }
0x16: {  	[sflag:s13] =	ssyncset.done $0x0  }
0x17: {  	s15 =	ssub.s32 $0x2, s15;
	[sflag:s13] =	ssyncadd.s32 $0xFFFFF800  }
0x18: {  	s17 =	sshrl.u32 s15, $0x1;
	_ =	swait.ge [sflag:s13], $0x800  }
0x19: {  	s15 =	ssub.s32 s15, s17;
	[sflag:s13] =	ssyncset.done $0x0  }
0x1a: {  	s15 =	smax.u32 s15, $0x1;
	[sflag:s13] =	ssyncadd.s32 $0xFFFFF800  }
0x1b: {  	s16 =	sshll.u32 s16, $0x1;
	p0 =	sne.s32 s15, $0x1;
	_ =	swait.ge [sflag:s13], $0x800  }
.Ltmp0:
0x1c: {  	s14 =	sadd.s32 s16, s14;
	[sflag:s13] =	ssyncset.done $0x0;
	(pc) =	sbr.rel @!p0 .LBB2_2-.Ltmp0, $4  }
0x1d: {  	s14 =	sadd.s32 $0x89A00, s14;
	[sflag:s13] =	ssyncadd.s32 $0xFFFFF800  }
0x1e: {  	[hbm4b:s14+s2] =	stream.linear.scatter [tilespmem:s7], [sflag:$0x2], $0x2000, $0x38;
	[tilespmem:$0x2200] =	vst v63  }
0x1f: {  	_ =	swait.ge [sflag:s3], $0x2000  }
0x20: {  	s15 =	sadd.s32 $0xFFFFFFFF, s15;
	[sflag:s3] =	ssyncset.done $0x0  }
.LBB2_1:
0x21: {  	p0 =	sne.s32 s15, $0x1;
	s15 =	sadd.s32 $0xFFFFFFFF, s15;
	[sflag:s3] =	ssyncadd.s32 $0xFFFFE000  }
0x22: {  	[tilespmem:s2], [sflag:$0x2] =	stream.linear.gather [hbm4b:s4+s2], $0x200, $0x38;
	[tilespmem:$0x2200] =	vst v63  }
0x23: {  	_ =	swait.ge [sflag:s3], $0x200  }
0x24: {  	[sflag:s3] =	ssyncset.done $0x0  }
0x25: {  	[sflag:s3] =	ssyncadd.s32 $0xFFFFFE00  }
0x26: {  	[tilespmem:s7], [sflag:$0x1] =	stream.indirect.gather [hbm4b:s5+s6], $0x10, s2, s6, $0xb8;
	[tilespmem:$0x2200] =	vst v63  }
0x27: {  	_ = 	snop  }
0x28: {  	[tilespmem:s8], [sflag:$0x1] =	stream.indirect.gather [hbm4b:s5+s6], $0x10, s6, s6, $0xb8;
	[tilespmem:$0x2200] =	vst v63  }
0x29: {  	_ = 	snop  }
0x2a: {  	[tilespmem:s10], [sflag:$0x1] =	stream.indirect.gather [hbm4b:s5+s6], $0x10, s9, s6, $0xb8;
	[tilespmem:$0x2200] =	vst v63  }
0x2b: {  	_ = 	snop  }
0x2c: {  	[tilespmem:s12], [sflag:$0x1] =	stream.indirect.gather [hbm4b:s5+s6], $0x10, s11, s6, $0xb8;
	[tilespmem:$0x2200] =	vst v63  }
0x2d: {  	_ =	swait.ge [sflag:s13], $0x800  }
0x2e: {  	[sflag:s13] =	ssyncset.done $0x0  }
0x2f: {  	[sflag:s13] =	ssyncadd.s32 $0xFFFFF800  }
0x30: {  	_ =	swait.ge [sflag:s13], $0x800  }
0x31: {  	[sflag:s13] =	ssyncset.done $0x0  }
0x32: {  	[sflag:s13] =	ssyncadd.s32 $0xFFFFF800  }
0x33: {  	_ =	swait.ge [sflag:s13], $0x800  }
0x34: {  	[sflag:s13] =	ssyncset.done $0x0  }
0x35: {  	[sflag:s13] =	ssyncadd.s32 $0xFFFFF800  }
0x36: {  	_ =	swait.ge [sflag:s13], $0x800  }
.Ltmp1:
0x37: {  	[sflag:s13] =	ssyncset.done $0x0;
	(pc) =	sbr.rel @p0 .LBB2_1-.Ltmp1, $4  }
0x38: {  	[sflag:s13] =	ssyncadd.s32 $0xFFFFF800  }
0x39: {  	[hbm4b:s14+s2] =	stream.linear.scatter [tilespmem:s7], [sflag:$0x2], $0x2000, $0x38;
	[tilespmem:$0x2200] =	vst v63  }
0x3a: {  	_ =	swait.ge [sflag:s3], $0x2000  }
0x3b: {  	[sflag:s3] =	ssyncset.done $0x0  }
.LBB2_2:
0x3c: {  	[sflag:s3] =	ssyncadd.s32 $0xFFFFE000  }
0x3d: {  	_ =	sfence.sel $0x180000  }
0x3e: {  	[bflag:$0x0] =	sbarrier.arrive $0xFFFF  }
0x3f: {  	p0 =	sne.s32 s0, $0x0;
	_ =	strace $0x9000004A  }
0x40: {  	s0 =	sadd.s32 @!p0 $0x100000, s1;
	[bflag:$0x2] =	sbarrier.arrive $0xFFFF  }
0x41: {  	[sflag:s0] =	ssyncadd.tile.s32 @!p0 $0x1;
	_ =	shalt  }
.Lfunc_end2:
_tile_overlayer_lowered:
.L_overlay_start_2:
0x42: {  	(tag) =	ssettag $0x2  }
0x43: {  	s0 =	rddreg [dreg:$0x0];
	s2 =	stileid.u32  }
0x44: {  	s1 =	rddreg [dreg:$0x1];
	p0 =	sne.s32 s2, $0x0  }
0x45: {  	s3 =	rddreg [dreg:$0x2];
	[bflag:$0x3] =	sbarrier.arrive $0xFFFF;
	s2 =	simm.s32 @!p0 $0x1C02  }
0x46: {  	[timem:s3], [sflag:s2] =	dma.local @!p0 [hbm:s0], s1  }
0x47: {  	s0 =	simm.s32 @!p0 $0x2  }
0x48: {  	_ =	swait.ge @!p0 [sflag:s0], s1  }
0x49: {  	s1 =	ssub.s32 @!p0 $0x0, s1;
	[sflag:s0] =	ssyncset.done @!p0 $0x0  }
0x4a: {  	[sflag:s0] =	ssyncadd.s32 @!p0 s1  }
0x4b: {  	[bflag:$0x3] =	sbarrier.arrive $0xFFFF  }
0x4c: {  	_ =	shalt  }

// kernel: scatter_offload_async_start
scs
__scs_entry_jumppad:
0x0: {  	(pc) =	sbr.rel $0x88, $3  }
0x1: {  	(tag) =	ssettag $0x0;
	lr =	simm.s32 $0x1  }
0x2: {  	[smem:$0x3F88] =	sst lr;
	_ =	strace $0xD0000000  }
0x3: {  	_ = 	snop  }
0x4: {  	_ = 	snop  }
0x5: {  	_ = 	snop  }
0x6: {  	_ = 	snop  }
0x7: {  	_ = 	snop  }
__scs_overlays_trampoline_lowered:
0x8: {  	[smem:$0x3F97] =	sst s0  }
0x9: {  	[smem:$0x3F98] =	sst s1  }
0xa: {  	[smem:$0x3F99] =	sst s2  }
0xb: {  	[smem:$0x3F9A] =	sst s3  }
0xc: {  	[smem:$0x3F9B] =	sst s4  }
0xd: {  	[smem:$0x3F9C] =	sst s5  }
0xe: {  	[smem:$0x3F9D] =	sst s6  }
0xf: {  	[smem:$0x3F9E] =	sst s7  }
0x10: {  	[smem:$0x3F9F] =	sst s8  }
0x11: {  	[smem:$0x3FA0] =	sst s9;
	s0 =	simm.s32 @!p0 $0x0  }
0x12: {  	s1 =	sld [smem:$0x3F86];
	s0 =	simm.s32 @p0 $0x1  }
0x13: {  	[smem:$0x3FA1] =	sst s0;
	s0 =	simm.s32 @!p1 $0x0  }
0x14: {  	s2 =	sld [smem:$0x3F85];
	s0 =	simm.s32 @p1 $0x1  }
0x15: {  	[smem:$0x3FA2] =	sst s0;
	s0 =	simm.s32 @!p2 $0x0  }
0x16: {  	s3 =	sld [smem:$0x3FDB];
	s0 =	simm.s32 @p2 $0x1  }
0x17: {  	s4 =	simm.s32 $0x1BF5;
	[smem:$0x3FA4] =	sst s0  }
0x18: {  	s0 =	sld [smem:$0x3F87];
	_ =	swait.ge [sflag:s4], $0x0  }
0x19: {  	s7 =	sld [smem:$0x3F88]  }
0x1a: {  	s8 =	sadd.s32 $0xFFFFE003, lr  }
0x1b: {  	s9 =	sadd.s32 $0xFFFFFEF7, lr;
	s5 =	simm.s32 $0xFFFFFFFF;
	p2 =	slt.u32 s8, $0xFFFFF086  }
0x1c: {  	p1 =	slt.u32 s9, $0xF7A;
	s5 =	simm.s32 @!p2 $0x0  }
0x1d: {  	s5 =	simm.s32 @p1 $0x1;
	p0 =	seq.s32 s7, s2  }
0x1e: {  	s7 =	smul.u32 @!p0 $0xF7A, s2;
	p2 =	seq.s32 @!p0 s5, $0x0  }
0x1f: {  	s9 =	smul.u32 $0xF7A, s1;
	s8 =	simm.s32 @!p0 $0x1BF5;
	p2 =	por !p2, p0  }
0x20: {  	[sflag:s8] =	ssyncset.s32 @!p0 $0xFFFFF086;
	s6 =	sadd.s32 @!p0 s3, s7;
	s7 =	simm.s32 @!p0 $0x108  }
0x21: {  	s3 =	sadd.s32 s3, s9;
	s6 =	sadd.s32 @!p0 $0x88, s6;
	s7 =	simm.s32 @p2 $0x1082  }
0x22: {  	[simem:s7], [sflag:s8] =	dma.local @!p0 [hbm:s6], $0xF7A  }
0x23: {  	s9 =	sor.u32 $0xD0000000, s2;
	s6 =	simm.s32 $0x108;
	_ =	swait.ge @!p0 [sflag:s8], $0x0  }
0x24: {  	s3 =	sadd.s32 $0x88, s3;
	s6 =	simm.s32 @!p1 $0x1082;
	[sflag:s4] =	ssyncset.s32 $0xFFFFF086  }
0x25: {  	[simem:s6], [sflag:s4] =	dma.local [hbm:s3], $0xF7A  }
0x26: {  	[smem:$0x3F88] =	sst s1;
	(tag) =	ssettag s2;
	_ =	strace s9  }
0x27: {  	s1 =	sld [smem:$0x3F98]  }
0x28: {  	s2 =	sld [smem:$0x3F99]  }
0x29: {  	s4 =	sld [smem:$0x3F9B]  }
0x2a: {  	p0 =	seq.s32 s5, $0x0;
	s5 =	sld [smem:$0x3F9C]  }
0x2b: {  	s6 =	sld [smem:$0x3F9D]  }
0x2c: {  	s7 =	sld [smem:$0x3F9E]  }
0x2d: {  	s3 =	simm.s32 $0x108;
	s8 =	sld [smem:$0x3F9F]  }
0x2e: {  	s3 =	simm.s32 @!p0 $0x1082;
	s9 =	sld [smem:$0x3FA0]  }
0x2f: {  	lr =	sadd.s32 s0, s3;
	s0 =	sld [smem:$0x3F97]  }
0x30: {  	s3 =	sld [smem:$0x3F9A]  }
0x31: {  	[smem:$0x3FA3] =	sst s10  }
0x32: {  	s10 =	sld [smem:$0x3FA1];
	_ =	sdelay $0x3  }
0x33: {  	p0 =	seq.s32 s10, $0x1;
	s10 =	sld [smem:$0x3FA3];
	_ =	sdelay $0x3  }
0x34: {  	[smem:$0x3FA3] =	sst s10  }
0x35: {  	s10 =	sld [smem:$0x3FA2];
	_ =	sdelay $0x3  }
0x36: {  	p1 =	seq.s32 s10, $0x1;
	s10 =	sld [smem:$0x3FA3];
	_ =	sdelay $0x3  }
0x37: {  	[smem:$0x3FA3] =	sst s10  }
0x38: {  	s10 =	sld [smem:$0x3FA4]  }
0x39: {  	_ = 	snop;
	(pc) =	sbr.ind lr, $3  }
0x3a: {  	_ = 	snop  }
0x3b: {  	_ = 	snop  }
0x3c: {  	p2 =	seq.s32 s10, $0x1;
	s10 =	sld [smem:$0x3FA3]  }
0x3d: {  	_ =	shalt  }
0x3e: {  	_ =	shalt  }
0x3f: {  	_ =	shalt  }
0x40: {  	_ =	shalt  }
0x41: {  	_ =	shalt  }
0x42: {  	_ =	shalt  }
0x43: {  	_ =	shalt  }
0x44: {  	_ =	shalt  }
0x45: {  	_ =	shalt  }
0x46: {  	_ =	shalt  }
0x47: {  	_ =	shalt  }
0x48: {  	_ =	shalt  }
0x49: {  	_ =	shalt  }
0x4a: {  	_ =	shalt  }
0x4b: {  	_ =	shalt  }
0x4c: {  	_ =	shalt  }
0x4d: {  	_ =	shalt  }
0x4e: {  	_ =	shalt  }
0x4f: {  	_ =	shalt  }
0x50: {  	_ =	shalt  }
0x51: {  	_ =	shalt  }
0x52: {  	_ =	shalt  }
0x53: {  	_ =	shalt  }
0x54: {  	_ =	shalt  }
0x55: {  	_ =	shalt  }
0x56: {  	_ =	shalt  }
0x57: {  	_ =	shalt  }
0x58: {  	_ =	shalt  }
0x59: {  	_ =	shalt  }
0x5a: {  	_ =	shalt  }
0x5b: {  	_ =	shalt  }
0x5c: {  	_ =	shalt  }
0x5d: {  	_ =	shalt  }
0x5e: {  	_ =	shalt  }
0x5f: {  	_ =	shalt  }
0x60: {  	_ =	shalt  }
0x61: {  	_ =	shalt  }
0x62: {  	_ =	shalt  }
0x63: {  	_ =	shalt  }
0x64: {  	_ =	shalt  }
0x65: {  	_ =	shalt  }
0x66: {  	_ =	shalt  }
0x67: {  	_ =	shalt  }
0x68: {  	_ =	shalt  }
0x69: {  	_ =	shalt  }
0x6a: {  	_ =	shalt  }
0x6b: {  	_ =	shalt  }
0x6c: {  	_ =	shalt  }
0x6d: {  	_ =	shalt  }
0x6e: {  	_ =	shalt  }
0x6f: {  	_ =	shalt  }
0x70: {  	_ =	shalt  }
0x71: {  	_ =	shalt  }
0x72: {  	_ =	shalt  }
0x73: {  	_ =	shalt  }
0x74: {  	_ =	shalt  }
0x75: {  	_ =	shalt  }
0x76: {  	_ =	shalt  }
0x77: {  	_ =	shalt  }
0x78: {  	_ =	shalt  }
0x79: {  	_ =	shalt  }
0x7a: {  	_ =	shalt  }
0x7b: {  	_ =	shalt  }
0x7c: {  	_ =	shalt  }
0x7d: {  	_ =	shalt  }
0x7e: {  	_ =	shalt  }
0x7f: {  	_ =	shalt  }
0x80: {  	_ =	shalt  }
0x81: {  	_ =	shalt  }
0x82: {  	_ =	shalt  }
0x83: {  	_ =	shalt  }
0x84: {  	_ =	shalt  }
0x85: {  	_ =	shalt  }
0x86: {  	_ =	shalt  }
0x87: {  	_ =	shalt  }
.Lfunc_end0:
.L_simem_size_0:
called_computation_lowered:
.L_overlay_start_0:
0x88: {  	s0 =	sld [smem:$0x3FD9]  }
0x89: {  	s1 =	sld [smem:$0x3FFE];
	_ =	sdelay $0x3  }
0x8a: {  	s0 =	sadd.s32 s1, s0  }
0x8b: {  	[smem:$0x3FAF] =	sst s0  }
0x8c: {  	_ = 	snop  }
0x8d: {  	s0 =	sld [smem:$0x3FD0];
	_ =	sdelay $0x2  }
0x8e: {  	s14 =	simm.s32 $0xB;
	s2 =	simm.s32 $0x10  }
0x8f: {  	[smem:s2], [sflag:s14] =	dma.local [hbm:s0], $0x1  }
0x90: {  	_ =	swait.eq [sflag:s14], $0x1  }
0x91: {  	s15 =	sld [smem:$0x10];
	[sflag:s14] =	ssyncset.done $0x0  }
0x92: {  	s16 =	sld [smem:$0x11];
	[sflag:s14] =	ssyncadd.s32 $0xFFFFFFFF  }
0x93: {  	s17 =	sld [smem:$0x12];
	(tm) =	ssettm $0x1  }
0x94: {  	s3 =	sld [smem:$0x3FFB];
	_ =	sdelay $0x3  }
0x95: {  	_ =	strace s3  }
0x96: {  	s3 =	sld [smem:$0x3FFC];
	_ =	sdelay $0x3  }
0x97: {  	_ =	strace s3  }
0x98: {  	s3 =	sld [smem:$0x3FFD];
	_ =	sdelay $0x3  }
0x99: {  	_ =	strace s3  }
0x9a: {  	_ =	strace $0x8FFFFFFF  }
0x9b: {  	s18 =	sld [smem:$0x3FDB];
	_ =	sdelay $0x1  }
0x9c: {  	s4 =	simm.s32 $_scs_section_size  }
0x9d: {  	s5 =	simm.s32 $_size__tile_overlayer_lowered;
	s6 =	simm.s32 $_tile_overlayer_lowered  }
0x9e: {  	s21 =	simm.s32 $0x1BFF;
	s20 =	sshll.u32 s6, $0x1;
	s3 =	sadd.s32 s4, s18  }
0x9f: {  	s7 =	simm.s32 $0x0;
	s19 =	sshll.u32 s5, $0x1;
	s5 =	sadd.s32 s20, s3  }
0xa0: {  	[timem:s7], [sflag:s21] =	dma.local [hbm:s5], s19  }
0xa1: {  	_ =	swait.ge [sflag:s21], s19  }
0xa2: {  	s4 =	ssub.s32 $0x0, s19;
	[sflag:s21] =	ssyncset.done $0x0  }
0xa3: {  	[sflag:s21] =	ssyncadd.s32 s4;
	_ =	sdelay $0x1  }
0xa4: {  	s22 =	simm.s32 $0x1B8B  }
0xa5: {  	_ =	swait.ge [sflag:s22], $0x1  }
0xa6: {  	[sflag:s22] =	ssyncset.done $0x0  }
0xa7: {  	s23 =	simm.s32 $0x1B8E;
	[sflag:s22] =	ssyncadd.s32 $0xFFFFFFFF  }
0xa8: {  	s24 =	simm.s32 $execute0_lowered;
	[smem:$0x3FD2] =	sst s23  }
0xa9: {  	s4 =	sshll.u32 s24, $0x1;
	_ =	strace $0x80000046;
	[dreg:$0x1] =	wrdreg $0xFFFFFFFF  }
0xaa: {  	s25 =	simm.s32 $_size_execute0_lowered;
	s3 =	sadd.s32 s3, s4;
	[dreg:$0x0] =	wrdreg $0x0  }
0xab: {  	s4 =	sshll.u32 s25, $0x1;
	[dreg:$0x2] =	wrdreg s3  }
0xac: {  	[dreg:$0x3] =	wrdreg s4  }
0xad: {  	[dreg:$0x4] =	wrdreg $0xC0  }
0xae: {  	_ =	task [dreg:s7], $0x5FFFF  }
0xaf: {  	[dreg:$0x1] =	wrdreg $0xFFFFFFFF  }
0xb0: {  	[dreg:$0x0] =	wrdreg $0x60  }
0xb1: {  	[dreg:$0x2] =	wrdreg s16  }
0xb2: {  	[dreg:$0x3] =	wrdreg s15  }
0xb3: {  	[dreg:$0x4] =	wrdreg s17  }
0xb4: {  	[dreg:$0x5] =	wrdreg $0x9  }
0xb5: {  	_ =	task.clear_ibuf [dreg:s7], $0x6FFFF;
	_ =	strace $0x90000046  }
0xb6: {  	s26 =	simm.s32 $0x9;
	_ =	strace $0x80000048  }
0xb7: {  	_ =	swait.ge [sflag:s26], $0x1  }
0xb8: {  	[sflag:s26] =	ssyncadd.s32 $0xFFFFFFFF  }
0xb9: {  	_ =	strace $0x90000048  }
0xba: {  	_ =	sfence  }
0xbb: {  	s28 =	sld [smem:$0x0];
	_ =	sdelay $0x1  }
0xbc: {  	s29 =	srdreg.scid  }
0xbd: {  	s30 =	sshll.u32 s29, $0xD;
	s31 =	sshrl.u32 s29, $0x2  }
0xbe: {  	s1 =	sand.u32 $0x1, s29;
	s2 =	sand.u32 $0x4000, s30;
	s0 =	sadd.s32 s31, s28  }
0xbf: {  	s1 =	sor.u32 s2, s1;
	s0 =	sshll.u32 s0, $0x11  }
0xc0: {  	s0 =	sor.u32 s0, s1  }
0xc1: {  	s0 =	sadd.s32 $0x8F2B, s0  }
0xc2: {  	[sflag:s0] =	ssyncadd.remote.s32 $0x1  }
0xc3: {  	_ =	sfence.sel $0xFFFF  }
0xc4: {  	[dreg:$0x0] =	wrdreg $0xFFFFFFFF;
	(pc) =	sbr.abs _section_cstart, $3  }
0xc5: {  	[dreg:$0x1] =	wrdreg $0xFFFFFFFF  }
0xc6: {  	_ =	task.clear_ibuf [dreg:s7], $0x2FFFF;
	_ =	strace $0x9FFFFFFF  }
0xc7: {  	(tm) =	ssettm $0x7FFFFFFF  }
tec
execute0_lowered:
.L_overlay_start_1:
0x0: {  	(tag) =	ssettag $0x1  }
0x1: {  	s1 =	rddreg [dreg:$0x0]  }
0x2: {  	s2 =	rddreg [dreg:$0x1]  }
0x3: {  	s3 =	rddreg [dreg:$0x2]  }
0x4: {  	s0 =	rddreg [dreg:$0x3];
	s4 =	stileid.u32  }
0x5: {  	_ =	strace $0x80000047;
	s5 =	simm.s32 $0x3E;
	p0 =	sne.s32 s4, $0x0  }
0x6: {  	[sflag:s5] =	ssyncpa.u1 $0x0;
	s6 =	simm.s32 @!p0 $0x1C3E;
	s7 =	simm.s32 @!p0 $0x0  }
0x7: {  	[spmem:s7], [sflag:s6] =	dma.local @!p0 [hbm:s1], $0x800  }
0x8: {  	s6 =	simm.s32 @!p0 $0x3E  }
0x9: {  	_ =	swait.ge @!p0 [sflag:s6], $0x800  }
0xa: {  	[sflag:s6] =	ssyncset.done @!p0 $0x0  }
0xb: {  	[sflag:s6] =	ssyncadd.s32 @!p0 $0xFFFFF800  }
0xc: {  	s28 =	simm.s32 $0x1;
	[bflag:$0x0] =	sbarrier.arrive $0xFFFF  }
0xd: {  	s29 =	simm.s32 $0x2;
	s4 =	sshll.u32 s4, $0x7;
	[sflag:s5] =	ssyncpa.u1 $0x1  }
0xe: {  	s31 =	simm.s32 $0x800;
	s30 =	sadd.s32 s2, s4;
	[sflag:s28] =	ssyncpa.u1 $0x0  }
0xf: {  	s2 =	simm.s32 $0x0;
	(ifvalue) =	ssetifvalue $0x4000;
	[sflag:s29] =	ssyncpa.u1 $0x0  }
0x10: {  	[tilespmem:s31], [sflag:$0x2] =	stream.linear.gather [hbm4b:s30+s2], $0x400, $0x38;
	[tilespmem:$0x1400] =	vst v63  }
0x11: {  	s4 =	sadd.s32 s3, s4;
	s3 =	simm.s32 $0x1000  }
0x12: {  	[tilespmem:s3], [sflag:$0x2] =	stream.linear.gather [hbm4b:s4+s2], $0x400, $0x38;
	[tilespmem:$0x1400] =	vst v63  }
0x13: {  	_ =	swait.ge [sflag:s29], $0x800  }
0x14: {  	[sflag:s29] =	ssyncset.done $0x0  }
0x15: {  	[sflag:s29] =	ssyncadd.s32 $0xFFFFF800  }
0x16: {  	v0 =	vld.msk [tilespmem:s31+$0x0 ss:$0x1], $0xffff;
	_ =	sdelay $0x4  }
0x17: {  	v0 =	vmin.u32 v0, $0x4000;
	_ =	sdelay $0x3  }
0x18: {  	vm0 =	vmmov $0xffff;
	s5 =	simm.s32 $0x810;
	s4 =	simm.s32 $0x0  }
0x19: {  	[spmem:s2] =	stream.indirect_vreg.scatter.add.s32 [tilespmem:s3], [sflag:$0x1], $0x1, v0, vm0, $0x4038;
	[tilespmem:$0x1400] =	vst v63  }
.LBB2_1:
0x1a: {  	v0 =	vld.msk [tilespmem:s5+$0x0 ss:$0x1], $0xffff;
	s4 =	sadd.s32 $0x10, s4  }
0x1b: {  	p1 =	slt.u32 s4, $0x3F0;
	_ =	sdelay $0x4  }
0x1c: {  	v0 =	vmin.u32 v0, $0x4000  }
.Ltmp0:
0x1d: {  	(pc) =	sbr.rel @p1 .LBB2_1-.Ltmp0, $3  }
0x1e: {  	_ =	sdelay $0x1  }
0x1f: {  	s5 =	sadd.s32 $0x10, s5;
	s3 =	sadd.s32 $0x10, s3  }
0x20: {  	[spmem:s2] =	stream.indirect_vreg.scatter.add.s32 [tilespmem:s3], [sflag:$0x1], $0x1, v0, vm0, $0x4038;
	[tilespmem:$0x1400] =	vst v63  }
0x21: {  	s2 =	simm.s32 $0x1  }
0x22: {  	_ =	swait.ge [sflag:s2], $0x400  }
0x23: {  	[sflag:s2] =	ssyncset.done $0x0  }
0x24: {  	[sflag:s2] =	ssyncadd.s32 $0xFFFFFC00  }
0x25: {  	_ =	sfence.sel $0x180000  }
0x26: {  	s3 =	simm.s32 $0x2;
	[bflag:$0x0] =	sbarrier.arrive $0xFFFF  }
0x27: {  	[sflag:s3] =	ssyncpa.u1 $0x1  }
0x28: {  	[sflag:s2] =	ssyncpa.u1 $0x1  }
0x29: {  	_ =	sfence.stream.spmem  }
0x2a: {  	s31 =	simm.s32 $0x3D;
	[bflag:$0x0] =	sbarrier.arrive $0xFFFF  }
0x2b: {  	s2 =	simm.s32 @p0 $0x3D;
	[sflag:s31] =	ssyncpa.u1 $0x0  }
0x2c: {  	[sflag:s2] =	ssyncpa.u1 @p0 $0x1  }
0x2d: {  	[bflag:$0x0] =	sbarrier.arrive @p0 $0xFFFF  }
0x2e: {  	_ =	strace @p0 $0x90000047  }
0x2f: {  	s3 =	simm.s32 @!p0 $0x1C3D;
	s2 =	simm.s32 @!p0 $0x0;
	[bflag:$0x2] =	sbarrier.arrive @p0 $0xFFFF  }
0x30: {  	[hbm:s1], [sflag:s3] =	dma.local @!p0 [spmem:s2], $0x800  }
0x31: {  	s1 =	simm.s32 @!p0 $0x3D  }
0x32: {  	_ =	swait.ge @!p0 [sflag:s1], $0x800  }
0x33: {  	[sflag:s1] =	ssyncset.done @!p0 $0x0  }
0x34: {  	[sflag:s1] =	ssyncadd.s32 @!p0 $0xFFFFF800  }
0x35: {  	[sflag:s1] =	ssyncpa.u1 @!p0 $0x1  }
0x36: {  	[bflag:$0x0] =	sbarrier.arrive @!p0 $0xFFFF  }
0x37: {  	_ =	strace @!p0 $0x90000047  }
0x38: {  	s0 =	sadd.s32 @!p0 $0x100000, s0;
	[bflag:$0x2] =	sbarrier.arrive @!p0 $0xFFFF  }
0x39: {  	[sflag:s0] =	ssyncadd.tile.s32 @!p0 $0x1;
	_ =	shalt  }
.Lfunc_end2:
_tile_overlayer_lowered:
.L_overlay_start_2:
0x3a: {  	(tag) =	ssettag $0x2  }
0x3b: {  	s0 =	rddreg [dreg:$0x0];
	s2 =	stileid.u32  }
0x3c: {  	s1 =	rddreg [dreg:$0x1];
	p0 =	sne.s32 s2, $0x0  }
0x3d: {  	s3 =	rddreg [dreg:$0x2];
	[bflag:$0x3] =	sbarrier.arrive $0xFFFF;
	s2 =	simm.s32 @!p0 $0x1C01  }
0x3e: {  	[timem:s3], [sflag:s2] =	dma.local @!p0 [hbm:s0], s1  }
0x3f: {  	s0 =	simm.s32 @!p0 $0x1  }
0x40: {  	_ =	swait.ge @!p0 [sflag:s0], s1  }
0x41: {  	s1 =	ssub.s32 @!p0 $0x0, s1;
	[sflag:s0] =	ssyncset.done @!p0 $0x0  }
0x42: {  	[sflag:s0] =	ssyncadd.s32 @!p0 s1  }
0x43: {  	[bflag:$0x3] =	sbarrier.arrive $0xFFFF  }
0x44: {  	_ =	shalt  }

</sc_bundles>
